<compile_context>
chip_gen: v7x
topology: tpu7x:2x2x1
jax: 0.10.2.dev20260603
libtpu: 0.0.44.dev20260713+nightly
codegen_flags: <defaults>
</compile_context>

<pallas_src>
import functools

import jax
import jax.numpy as jnp
from jax import lax
from jax.experimental import pallas as pl
from jax.experimental.pallas import tpu as pltpu
from jax.experimental.pallas import tpu_sc as plsc

_N = 8192
_M = 8192
_NT = 2048
_SPLIT = 2048


def _argmin_body(data4t_ref, rec4t_ref, idx_ref):
    s = lax.dot_general(
        data4t_ref[...], rec4t_ref[...],
        dimension_numbers=(((0,), (0,)), ((), ())),
        preferred_element_type=jnp.float32,
    )
    idx_ref[...] = jnp.argmin(s, axis=0).astype(jnp.int32)


def _partial_body(sq_ref, out_ref):
    out_ref[...] = jnp.sum(jnp.sqrt(sq_ref[...])).reshape(1, 1)


def _loss_body(pb_ref, sqa_ref, out_ref):
    t = pb_ref[0, 0] + jnp.sum(jnp.sqrt(sqa_ref[...]))
    out_ref[...] = (t / _N).reshape(1, 1)


def _argmin_part(data4t, rec4t, row_base, nrows):
    blk_base = row_base // _NT
    return pl.pallas_call(
        _argmin_body,
        grid=(nrows // _NT,),
        in_specs=[
            pl.BlockSpec((4, _M), lambda i: (0, 0)),
            pl.BlockSpec((4, _NT), lambda i: (0, i + blk_base)),
        ],
        out_specs=pl.BlockSpec((_NT,), lambda i: (i,)),
        out_shape=jax.ShapeDtypeStruct((nrows,), jnp.int32),
        compiler_params=pltpu.CompilerParams(
            vmem_limit_bytes=100 * 1024 * 1024),
    )(data4t, rec4t)


def _sc_residuals(dn_planes, rn_planes, idx_part, row_base, nrows,
                  n_workers=None):
    info = plsc.get_sparse_core_info()
    nw = info.num_cores * info.num_subcores
    if n_workers is None:
        n_workers = nw
    b_per_w = nrows // n_workers
    n_chunks = b_per_w // 16
    mesh = plsc.VectorSubcoreMesh(core_axis_name="c", subcore_axis_name="s")

    @functools.partial(
        pl.kernel,
        out_type=jax.ShapeDtypeStruct((nrows,), jnp.float32),
        mesh=mesh,
        compiler_params=pltpu.CompilerParams(needs_layout_passes=False),
        scratch_types=[
            pltpu.VMEM((_M,), jnp.float32),
            pltpu.VMEM((_M,), jnp.float32),
            pltpu.VMEM((_M,), jnp.float32),
            pltpu.VMEM((b_per_w,), jnp.float32),
            pltpu.VMEM((b_per_w,), jnp.float32),
            pltpu.VMEM((b_per_w,), jnp.float32),
            pltpu.VMEM((b_per_w,), jnp.int32),
            pltpu.VMEM((b_per_w,), jnp.float32),
            pltpu.SemaphoreType.DMA,
        ],
    )
    def residual_kernel(dnx_h, dny_h, dnz_h, rnx_h, rny_h, rnz_h, idx_h,
                        out_h, dnx_v, dny_v, dnz_v, rnx_v, rny_v, rnz_v,
                        idx_v, out_v, sem):
        wid = lax.axis_index("s") * info.num_cores + lax.axis_index("c")
        base_l = wid * b_per_w
        base_g = row_base + base_l

        @pl.when(wid < n_workers)
        def _work():
            copies = [
            pltpu.async_copy(dnx_h, dnx_v, sem),
            pltpu.async_copy(dny_h, dny_v, sem),
            pltpu.async_copy(dnz_h, dnz_v, sem),
            pltpu.async_copy(rnx_h.at[pl.ds(base_g, b_per_w)], rnx_v, sem),
            pltpu.async_copy(rny_h.at[pl.ds(base_g, b_per_w)], rny_v, sem),
            pltpu.async_copy(rnz_h.at[pl.ds(base_g, b_per_w)], rnz_v, sem),
                pltpu.async_copy(idx_h.at[pl.ds(base_l, b_per_w)], idx_v,
                                 sem),
            ]
            for c in copies:
                c.wait()
            for c in range(n_chunks):
                sl = pl.ds(c * 16, 16)
                iv = idx_v[sl]
                dx = plsc.load_gather(dnx_v, [iv]) - rnx_v[sl]
                dy = plsc.load_gather(dny_v, [iv]) - rny_v[sl]
                dz = plsc.load_gather(dnz_v, [iv]) - rnz_v[sl]
                out_v[sl] = dx * dx + dy * dy + dz * dz
            pltpu.sync_copy(out_v, out_h.at[pl.ds(base_l, b_per_w)])

    return residual_kernel(*dn_planes, *rn_planes, idx_part)


def kernel(rec, data, rec_normals, data_normals):
    rec2 = rec[0]
    data2 = data[0]
    rn = rec_normals[0]
    dn = data_normals[0]

    y2 = jnp.sum(data2 * data2, axis=1)
    data4t = jnp.concatenate(
        [-2.0 * data2.T, y2[None, :]], axis=0)
    rec4t = jnp.concatenate(
        [rec2.T, jnp.ones((1, _N), jnp.float32)], axis=0)

    dn_planes = (dn[:, 0], dn[:, 1], dn[:, 2])
    rn_planes = (rn[:, 0], rn[:, 1], rn[:, 2])

    nb = _N - _SPLIT
    idx_a = _argmin_part(data4t, rec4t, 0, _SPLIT)
    sq_a = _sc_residuals(dn_planes, rn_planes, idx_a, 0, _SPLIT,
                         n_workers=8)
    idx_b = _argmin_part(data4t, rec4t, _SPLIT, nb)
    sq_b = _sc_residuals(dn_planes, rn_planes, idx_b, _SPLIT, nb)

    pb = pl.pallas_call(
        _partial_body,
        in_specs=[pl.BlockSpec((nb // 128, 128), lambda: (0, 0))],
        out_specs=pl.BlockSpec((1, 1), lambda: (0, 0)),
        out_shape=jax.ShapeDtypeStruct((1, 1), jnp.float32),
    )(sq_b.reshape(nb // 128, 128))

    loss = pl.pallas_call(
        _loss_body,
        in_specs=[
            pl.BlockSpec((1, 1), lambda: (0, 0)),
            pl.BlockSpec((_SPLIT // 128, 128), lambda: (0, 0)),
        ],
        out_specs=pl.BlockSpec((1, 1), lambda: (0, 0)),
        out_shape=jax.ShapeDtypeStruct((1, 1), jnp.float32),
    )(pb, sq_a.reshape(_SPLIT // 128, 128))
    return loss[0, 0]

# --- scband reference (transcript-rebuilt; emitter-appended) ---
"""Pipeline reference for scband-normals-loss-71322226917416 (READ-ONLY COPY).

The authoritative reference and input builder live on the scoring server;
editing this copy changes nothing except your own understanding.
"""

import jax, jax.numpy as jnp
import numpy as np


def setup_inputs(seed: int = 0) -> dict:
    key = jax.random.key(seed)
    k1, k2, k3, k4 = jax.random.split(key, 4)
    B, N, M = 1, 8192, 8192
    rec = jax.random.normal(k1, (B, N, 3), dtype=jnp.float32)
    data = jax.random.normal(k2, (B, M, 3), dtype=jnp.float32)
    rec_normals = jax.random.normal(k3, (B, N, 3), dtype=jnp.float32)
    data_normals = jax.random.normal(k4, (B, M, 3), dtype=jnp.float32)
    return {"rec": rec, "data": data, "rec_normals": rec_normals, "data_normals": data_normals}


def _nndistance(x, y):
    # x: (B, N, 3), y: (B, M, 3)
    x2 = jnp.sum(x * x, axis=-1)               # (B, N)
    y2 = jnp.sum(y * y, axis=-1)               # (B, M)
    xy = jnp.einsum('bnd,bmd->bnm', x, y)      # (B, N, M)
    d2 = x2[:, :, None] + y2[:, None, :] - 2.0 * xy
    dist1 = jnp.min(d2, axis=2)
    idx1 = jnp.argmin(d2, axis=2)
    dist2 = jnp.min(d2, axis=1)
    idx2 = jnp.argmin(d2, axis=1)
    return dist1, dist2, idx1, idx2


def reference(rec, data, rec_normals, data_normals):
    data_dist, rec_dist, data_idx, rec_idx = _nndistance(rec, data)
    # torch: data_normals[:, data_idx] -> (B, B, N, 3); squeeze(0) -> (B, N, 3) since B == 1
    data_rec_normals = jnp.squeeze(jnp.take(data_normals, data_idx, axis=1), axis=0)
    normals_loss = jnp.linalg.norm(data_rec_normals - rec_normals, axis=2)
    normals_loss = jnp.mean(jnp.mean(normals_loss, axis=1))
    return normals_loss


if False:  # reference __main__ guard neutralized (emitter)
    out = reference(**setup_inputs())
    print(out.shape, out.dtype)

if __name__ == "__main__":
    import jax
    _d = setup_inputs()
    print(jax.jit(kernel)(*tuple(_d.values())))

</pallas_src>

<mosaic_0001>
#map = affine_map<(d0, d1) -> (0)>
module attributes {stable_mosaic.version = 14 : i64} {
  func.func @residual_kernel(%arg0: i32, %arg1: i32, %arg2: memref<8192xf32, #tpu.memory_space<hbm>>, %arg3: memref<8192xf32, #tpu.memory_space<hbm>>, %arg4: memref<8192xf32, #tpu.memory_space<hbm>>, %arg5: memref<8192xf32, #tpu.memory_space<hbm>>, %arg6: memref<8192xf32, #tpu.memory_space<hbm>>, %arg7: memref<8192xf32, #tpu.memory_space<hbm>>, %arg8: memref<6144xi32, #tpu.memory_space<hbm>>, %arg9: memref<6144xf32, #tpu.memory_space<hbm>>, %arg10: memref<8192xf32, #tpu.memory_space<vmem>>, %arg11: memref<8192xf32, #tpu.memory_space<vmem>>, %arg12: memref<8192xf32, #tpu.memory_space<vmem>>, %arg13: memref<192xf32, #tpu.memory_space<vmem>>, %arg14: memref<192xf32, #tpu.memory_space<vmem>>, %arg15: memref<192xf32, #tpu.memory_space<vmem>>, %arg16: memref<192xi32, #tpu.memory_space<vmem>>, %arg17: memref<192xf32, #tpu.memory_space<vmem>>, %arg18: memref<!tpu.dma_semaphore, #tpu.memory_space<semaphore_mem>>) attributes {dimension_semantics = [#tpu.dimension_semantics<core_parallel>, #tpu.dimension_semantics<subcore_parallel>], iteration_bounds = array<i64: 2, 16>, scalar_prefetch = 0 : i64, scratch_operands = 9 : i64, tpu.core_type = #tpu.core_type<sc_vector_subcore>, window_params = [{transform_indices = #map}, {transform_indices = #map}, {transform_indices = #map}, {transform_indices = #map}, {transform_indices = #map}, {transform_indices = #map}, {transform_indices = #map}, {transform_indices = #map}]} {
    %mul3A = arith.constant 2 : i32
    %mul3A_0 = arith.muli %arg1, %mul3A : i32
    %add3A = arith.addi %mul3A_0, %arg0 : i32
    %mul3A_1 = arith.constant 192 : i32
    %mul3A_2 = arith.muli %add3A, %mul3A_1 : i32
    %add3A_3 = arith.constant 2048 : i32
    %add3A_4 = arith.addi %add3A_3, %mul3A_2 : i32
    %lt3A = arith.constant 32 : i32
    %lt3A_5 = arith.cmpi slt, %add3A, %lt3A : i32
    %convert_element_type3A = arith.extui %lt3A_5 : i1 to i32
    %cond3A = arith.constant 0 : i32
    %cond3A_6 = arith.cmpi ne, %convert_element_type3A, %cond3A : i32
    scf.if %cond3A_6 {
      tpu.enqueue_dma source(%arg2 : memref<8192xf32, #tpu.memory_space<hbm>>) target(%arg10 : memref<8192xf32, #tpu.memory_space<vmem>>) target_semaphore(%arg18 : memref<!tpu.dma_semaphore, #tpu.memory_space<semaphore_mem>>)
      tpu.enqueue_dma source(%arg3 : memref<8192xf32, #tpu.memory_space<hbm>>) target(%arg11 : memref<8192xf32, #tpu.memory_space<vmem>>) target_semaphore(%arg18 : memref<!tpu.dma_semaphore, #tpu.memory_space<semaphore_mem>>)
      tpu.enqueue_dma source(%arg4 : memref<8192xf32, #tpu.memory_space<hbm>>) target(%arg12 : memref<8192xf32, #tpu.memory_space<vmem>>) target_semaphore(%arg18 : memref<!tpu.dma_semaphore, #tpu.memory_space<semaphore_mem>>)
      %dma_start3A = tpu.memref_slice %arg5[%add3A_4] : memref<8192xf32, #tpu.memory_space<hbm>> -> memref<192xf32, #tpu.memory_space<hbm>>
      %dma_start3A_7 = tpu.memref_slice %arg5[%add3A_4] : memref<8192xf32, #tpu.memory_space<hbm>> -> memref<192xf32, #tpu.memory_space<hbm>>
      tpu.enqueue_dma source(%dma_start3A_7 : memref<192xf32, #tpu.memory_space<hbm>>) target(%arg13 : memref<192xf32, #tpu.memory_space<vmem>>) target_semaphore(%arg18 : memref<!tpu.dma_semaphore, #tpu.memory_space<semaphore_mem>>)
      %dma_start3A_8 = tpu.memref_slice %arg6[%add3A_4] : memref<8192xf32, #tpu.memory_space<hbm>> -> memref<192xf32, #tpu.memory_space<hbm>>
      %dma_start3A_9 = tpu.memref_slice %arg6[%add3A_4] : memref<8192xf32, #tpu.memory_space<hbm>> -> memref<192xf32, #tpu.memory_space<hbm>>
      tpu.enqueue_dma source(%dma_start3A_9 : memref<192xf32, #tpu.memory_space<hbm>>) target(%arg14 : memref<192xf32, #tpu.memory_space<vmem>>) target_semaphore(%arg18 : memref<!tpu.dma_semaphore, #tpu.memory_space<semaphore_mem>>)
      %dma_start3A_10 = tpu.memref_slice %arg7[%add3A_4] : memref<8192xf32, #tpu.memory_space<hbm>> -> memref<192xf32, #tpu.memory_space<hbm>>
      %dma_start3A_11 = tpu.memref_slice %arg7[%add3A_4] : memref<8192xf32, #tpu.memory_space<hbm>> -> memref<192xf32, #tpu.memory_space<hbm>>
      tpu.enqueue_dma source(%dma_start3A_11 : memref<192xf32, #tpu.memory_space<hbm>>) target(%arg15 : memref<192xf32, #tpu.memory_space<vmem>>) target_semaphore(%arg18 : memref<!tpu.dma_semaphore, #tpu.memory_space<semaphore_mem>>)
      %dma_start3A_12 = tpu.memref_slice %arg8[%mul3A_2] : memref<6144xi32, #tpu.memory_space<hbm>> -> memref<192xi32, #tpu.memory_space<hbm>>
      %dma_start3A_13 = tpu.memref_slice %arg8[%mul3A_2] : memref<6144xi32, #tpu.memory_space<hbm>> -> memref<192xi32, #tpu.memory_space<hbm>>
      tpu.enqueue_dma source(%dma_start3A_13 : memref<192xi32, #tpu.memory_space<hbm>>) target(%arg16 : memref<192xi32, #tpu.memory_space<vmem>>) target_semaphore(%arg18 : memref<!tpu.dma_semaphore, #tpu.memory_space<semaphore_mem>>)
      tpu.wait_dma2 semaphore(%arg18 : memref<!tpu.dma_semaphore, #tpu.memory_space<semaphore_mem>>) src(%arg2 : memref<8192xf32, #tpu.memory_space<hbm>>) dst(%arg10 : memref<8192xf32, #tpu.memory_space<vmem>>)
      tpu.wait_dma2 semaphore(%arg18 : memref<!tpu.dma_semaphore, #tpu.memory_space<semaphore_mem>>) src(%arg3 : memref<8192xf32, #tpu.memory_space<hbm>>) dst(%arg11 : memref<8192xf32, #tpu.memory_space<vmem>>)
      tpu.wait_dma2 semaphore(%arg18 : memref<!tpu.dma_semaphore, #tpu.memory_space<semaphore_mem>>) src(%arg4 : memref<8192xf32, #tpu.memory_space<hbm>>) dst(%arg12 : memref<8192xf32, #tpu.memory_space<vmem>>)
      %dma_wait3A = tpu.memref_slice %arg5[%add3A_4] : memref<8192xf32, #tpu.memory_space<hbm>> -> memref<192xf32, #tpu.memory_space<hbm>>
      %dma_wait3A_14 = tpu.memref_slice %arg5[%add3A_4] : memref<8192xf32, #tpu.memory_space<hbm>> -> memref<192xf32, #tpu.memory_space<hbm>>
      tpu.wait_dma2 semaphore(%arg18 : memref<!tpu.dma_semaphore, #tpu.memory_space<semaphore_mem>>) src(%dma_wait3A_14 : memref<192xf32, #tpu.memory_space<hbm>>) dst(%arg13 : memref<192xf32, #tpu.memory_space<vmem>>)
      %dma_wait3A_15 = tpu.memref_slice %arg6[%add3A_4] : memref<8192xf32, #tpu.memory_space<hbm>> -> memref<192xf32, #tpu.memory_space<hbm>>
      %dma_wait3A_16 = tpu.memref_slice %arg6[%add3A_4] : memref<8192xf32, #tpu.memory_space<hbm>> -> memref<192xf32, #tpu.memory_space<hbm>>
      tpu.wait_dma2 semaphore(%arg18 : memref<!tpu.dma_semaphore, #tpu.memory_space<semaphore_mem>>) src(%dma_wait3A_16 : memref<192xf32, #tpu.memory_space<hbm>>) dst(%arg14 : memref<192xf32, #tpu.memory_space<vmem>>)
      %dma_wait3A_17 = tpu.memref_slice %arg7[%add3A_4] : memref<8192xf32, #tpu.memory_space<hbm>> -> memref<192xf32, #tpu.memory_space<hbm>>
      %dma_wait3A_18 = tpu.memref_slice %arg7[%add3A_4] : memref<8192xf32, #tpu.memory_space<hbm>> -> memref<192xf32, #tpu.memory_space<hbm>>
      tpu.wait_dma2 semaphore(%arg18 : memref<!tpu.dma_semaphore, #tpu.memory_space<semaphore_mem>>) src(%dma_wait3A_18 : memref<192xf32, #tpu.memory_space<hbm>>) dst(%arg15 : memref<192xf32, #tpu.memory_space<vmem>>)
      %dma_wait3A_19 = tpu.memref_slice %arg8[%mul3A_2] : memref<6144xi32, #tpu.memory_space<hbm>> -> memref<192xi32, #tpu.memory_space<hbm>>
      %dma_wait3A_20 = tpu.memref_slice %arg8[%mul3A_2] : memref<6144xi32, #tpu.memory_space<hbm>> -> memref<192xi32, #tpu.memory_space<hbm>>
      tpu.wait_dma2 semaphore(%arg18 : memref<!tpu.dma_semaphore, #tpu.memory_space<semaphore_mem>>) src(%dma_wait3A_20 : memref<192xi32, #tpu.memory_space<hbm>>) dst(%arg16 : memref<192xi32, #tpu.memory_space<vmem>>)
      %get3A = arith.constant 0 : index
      %get3A_21 = tpu.vector_load %arg16[%get3A] {strides = array<i32>} : memref<192xi32, #tpu.memory_space<vmem>>, vector<16xi32>,
      %gather3A = tpu.vector_load_idx %arg10[%get3A_21] : memref<8192xf32, #tpu.memory_space<vmem>>[vector<16xi32>], vector<16xf32>,
      %get3A_22 = arith.constant 0 : index
      %get3A_23 = tpu.vector_load %arg13[%get3A_22] {strides = array<i32>} : memref<192xf32, #tpu.memory_space<vmem>>, vector<16xf32>,
      %sub3A = arith.subf %gather3A, %get3A_23 : vector<16xf32>
      %gather3A_24 = tpu.vector_load_idx %arg11[%get3A_21] : memref<8192xf32, #tpu.memory_space<vmem>>[vector<16xi32>], vector<16xf32>,
      %get3A_25 = arith.constant 0 : index
      %get3A_26 = tpu.vector_load %arg14[%get3A_25] {strides = array<i32>} : memref<192xf32, #tpu.memory_space<vmem>>, vector<16xf32>,
      %sub3A_27 = arith.subf %gather3A_24, %get3A_26 : vector<16xf32>
      %gather3A_28 = tpu.vector_load_idx %arg12[%get3A_21] : memref<8192xf32, #tpu.memory_space<vmem>>[vector<16xi32>], vector<16xf32>,
      %get3A_29 = arith.constant 0 : index
      %get3A_30 = tpu.vector_load %arg15[%get3A_29] {strides = array<i32>} : memref<192xf32, #tpu.memory_space<vmem>>, vector<16xf32>,
      %sub3A_31 = arith.subf %gather3A_28, %get3A_30 : vector<16xf32>
      %mul3A_32 = arith.mulf %sub3A, %sub3A : vector<16xf32>
      %mul3A_33 = arith.mulf %sub3A_27, %sub3A_27 : vector<16xf32>
      %add3A_34 = arith.addf %mul3A_32, %mul3A_33 : vector<16xf32>
      %mul3A_35 = arith.mulf %sub3A_31, %sub3A_31 : vector<16xf32>
      %add3A_36 = arith.addf %add3A_34, %mul3A_35 : vector<16xf32>
      %swap3A = arith.constant 0 : index
      %swap3A_37 = tpu.vector_load %arg17[%swap3A] {strides = array<i32>} : memref<192xf32, #tpu.memory_space<vmem>>, vector<16xf32>,
      tpu.vector_store %arg17[%swap3A], %add3A_36 {strides = array<i32>} : memref<192xf32, #tpu.memory_space<vmem>>, vector<16xf32>,
      %get3A_38 = arith.constant 16 : index
      %get3A_39 = tpu.vector_load %arg16[%get3A_38] {strides = array<i32>} : memref<192xi32, #tpu.memory_space<vmem>>, vector<16xi32>,
      %gather3A_40 = tpu.vector_load_idx %arg10[%get3A_39] : memref<8192xf32, #tpu.memory_space<vmem>>[vector<16xi32>], vector<16xf32>,
      %get3A_41 = arith.constant 16 : index
      %get3A_42 = tpu.vector_load %arg13[%get3A_41] {strides = array<i32>} : memref<192xf32, #tpu.memory_space<vmem>>, vector<16xf32>,
      %sub3A_43 = arith.subf %gather3A_40, %get3A_42 : vector<16xf32>
      %gather3A_44 = tpu.vector_load_idx %arg11[%get3A_39] : memref<8192xf32, #tpu.memory_space<vmem>>[vector<16xi32>], vector<16xf32>,
      %get3A_45 = arith.constant 16 : index
      %get3A_46 = tpu.vector_load %arg14[%get3A_45] {strides = array<i32>} : memref<192xf32, #tpu.memory_space<vmem>>, vector<16xf32>,
      %sub3A_47 = arith.subf %gather3A_44, %get3A_46 : vector<16xf32>
      %gather3A_48 = tpu.vector_load_idx %arg12[%get3A_39] : memref<8192xf32, #tpu.memory_space<vmem>>[vector<16xi32>], vector<16xf32>,
      %get3A_49 = arith.constant 16 : index
      %get3A_50 = tpu.vector_load %arg15[%get3A_49] {strides = array<i32>} : memref<192xf32, #tpu.memory_space<vmem>>, vector<16xf32>,
      %sub3A_51 = arith.subf %gather3A_48, %get3A_50 : vector<16xf32>
      %mul3A_52 = arith.mulf %sub3A_43, %sub3A_43 : vector<16xf32>
      %mul3A_53 = arith.mulf %sub3A_47, %sub3A_47 : vector<16xf32>
      %add3A_54 = arith.addf %mul3A_52, %mul3A_53 : vector<16xf32>
      %mul3A_55 = arith.mulf %sub3A_51, %sub3A_51 : vector<16xf32>
      %add3A_56 = arith.addf %add3A_54, %mul3A_55 : vector<16xf32>
      %swap3A_57 = arith.constant 16 : index
      %swap3A_58 = tpu.vector_load %arg17[%swap3A_57] {strides = array<i32>} : memref<192xf32, #tpu.memory_space<vmem>>, vector<16xf32>,
      tpu.vector_store %arg17[%swap3A_57], %add3A_56 {strides = array<i32>} : memref<192xf32, #tpu.memory_space<vmem>>, vector<16xf32>,
      %get3A_59 = arith.constant 32 : index
      %get3A_60 = tpu.vector_load %arg16[%get3A_59] {strides = array<i32>} : memref<192xi32, #tpu.memory_space<vmem>>, vector<16xi32>,
      %gather3A_61 = tpu.vector_load_idx %arg10[%get3A_60] : memref<8192xf32, #tpu.memory_space<vmem>>[vector<16xi32>], vector<16xf32>,
      %get3A_62 = arith.constant 32 : index
      %get3A_63 = tpu.vector_load %arg13[%get3A_62] {strides = array<i32>} : memref<192xf32, #tpu.memory_space<vmem>>, vector<16xf32>,
      %sub3A_64 = arith.subf %gather3A_61, %get3A_63 : vector<16xf32>
      %gather3A_65 = tpu.vector_load_idx %arg11[%get3A_60] : memref<8192xf32, #tpu.memory_space<vmem>>[vector<16xi32>], vector<16xf32>,
      %get3A_66 = arith.constant 32 : index
      %get3A_67 = tpu.vector_load %arg14[%get3A_66] {strides = array<i32>} : memref<192xf32, #tpu.memory_space<vmem>>, vector<16xf32>,
      %sub3A_68 = arith.subf %gather3A_65, %get3A_67 : vector<16xf32>
      %gather3A_69 = tpu.vector_load_idx %arg12[%get3A_60] : memref<8192xf32, #tpu.memory_space<vmem>>[vector<16xi32>], vector<16xf32>,
      %get3A_70 = arith.constant 32 : index
      %get3A_71 = tpu.vector_load %arg15[%get3A_70] {strides = array<i32>} : memref<192xf32, #tpu.memory_space<vmem>>, vector<16xf32>,
      %sub3A_72 = arith.subf %gather3A_69, %get3A_71 : vector<16xf32>
      %mul3A_73 = arith.mulf %sub3A_64, %sub3A_64 : vector<16xf32>
      %mul3A_74 = arith.mulf %sub3A_68, %sub3A_68 : vector<16xf32>
      %add3A_75 = arith.addf %mul3A_73, %mul3A_74 : vector<16xf32>
      %mul3A_76 = arith.mulf %sub3A_72, %sub3A_72 : vector<16xf32>
      %add3A_77 = arith.addf %add3A_75, %mul3A_76 : vector<16xf32>
      %swap3A_78 = arith.constant 32 : index
      %swap3A_79 = tpu.vector_load %arg17[%swap3A_78] {strides = array<i32>} : memref<192xf32, #tpu.memory_space<vmem>>, vector<16xf32>,
      tpu.vector_store %arg17[%swap3A_78], %add3A_77 {strides = array<i32>} : memref<192xf32, #tpu.memory_space<vmem>>, vector<16xf32>,
      %get3A_80 = arith.constant 48 : index
      %get3A_81 = tpu.vector_load %arg16[%get3A_80] {strides = array<i32>} : memref<192xi32, #tpu.memory_space<vmem>>, vector<16xi32>,
      %gather3A_82 = tpu.vector_load_idx %arg10[%get3A_81] : memref<8192xf32, #tpu.memory_space<vmem>>[vector<16xi32>], vector<16xf32>,
      %get3A_83 = arith.constant 48 : index
      %get3A_84 = tpu.vector_load %arg13[%get3A_83] {strides = array<i32>} : memref<192xf32, #tpu.memory_space<vmem>>, vector<16xf32>,
      %sub3A_85 = arith.subf %gather3A_82, %get3A_84 : vector<16xf32>
      %gather3A_86 = tpu.vector_load_idx %arg11[%get3A_81] : memref<8192xf32, #tpu.memory_space<vmem>>[vector<16xi32>], vector<16xf32>,
      %get3A_87 = arith.constant 48 : index
      %get3A_88 = tpu.vector_load %arg14[%get3A_87] {strides = array<i32>} : memref<192xf32, #tpu.memory_space<vmem>>, vector<16xf32>,
      %sub3A_89 = arith.subf %gather3A_86, %get3A_88 : vector<16xf32>
      %gather3A_90 = tpu.vector_load_idx %arg12[%get3A_81] : memref<8192xf32, #tpu.memory_space<vmem>>[vector<16xi32>], vector<16xf32>,
      %get3A_91 = arith.constant 48 : index
      %get3A_92 = tpu.vector_load %arg15[%get3A_91] {strides = array<i32>} : memref<192xf32, #tpu.memory_space<vmem>>, vector<16xf32>,
      %sub3A_93 = arith.subf %gather3A_90, %get3A_92 : vector<16xf32>
      %mul3A_94 = arith.mulf %sub3A_85, %sub3A_85 : vector<16xf32>
      %mul3A_95 = arith.mulf %sub3A_89, %sub3A_89 : vector<16xf32>
      %add3A_96 = arith.addf %mul3A_94, %mul3A_95 : vector<16xf32>
      %mul3A_97 = arith.mulf %sub3A_93, %sub3A_93 : vector<16xf32>
      %add3A_98 = arith.addf %add3A_96, %mul3A_97 : vector<16xf32>
      %swap3A_99 = arith.constant 48 : index
      %swap3A_100 = tpu.vector_load %arg17[%swap3A_99] {strides = array<i32>} : memref<192xf32, #tpu.memory_space<vmem>>, vector<16xf32>,
      tpu.vector_store %arg17[%swap3A_99], %add3A_98 {strides = array<i32>} : memref<192xf32, #tpu.memory_space<vmem>>, vector<16xf32>,
      %get3A_101 = arith.constant 64 : index
      %get3A_102 = tpu.vector_load %arg16[%get3A_101] {strides = array<i32>} : memref<192xi32, #tpu.memory_space<vmem>>, vector<16xi32>,
      %gather3A_103 = tpu.vector_load_idx %arg10[%get3A_102] : memref<8192xf32, #tpu.memory_space<vmem>>[vector<16xi32>], vector<16xf32>,
      %get3A_104 = arith.constant 64 : index
      %get3A_105 = tpu.vector_load %arg13[%get3A_104] {strides = array<i32>} : memref<192xf32, #tpu.memory_space<vmem>>, vector<16xf32>,
      %sub3A_106 = arith.subf %gather3A_103, %get3A_105 : vector<16xf32>
      %gather3A_107 = tpu.vector_load_idx %arg11[%get3A_102] : memref<8192xf32, #tpu.memory_space<vmem>>[vector<16xi32>], vector<16xf32>,
      %get3A_108 = arith.constant 64 : index
      %get3A_109 = tpu.vector_load %arg14[%get3A_108] {strides = array<i32>} : memref<192xf32, #tpu.memory_space<vmem>>, vector<16xf32>,
      %sub3A_110 = arith.subf %gather3A_107, %get3A_109 : vector<16xf32>
      %gather3A_111 = tpu.vector_load_idx %arg12[%get3A_102] : memref<8192xf32, #tpu.memory_space<vmem>>[vector<16xi32>], vector<16xf32>,
      %get3A_112 = arith.constant 64 : index
      %get3A_113 = tpu.vector_load %arg15[%get3A_112] {strides = array<i32>} : memref<192xf32, #tpu.memory_space<vmem>>, vector<16xf32>,
      %sub3A_114 = arith.subf %gather3A_111, %get3A_113 : vector<16xf32>
      %mul3A_115 = arith.mulf %sub3A_106, %sub3A_106 : vector<16xf32>
      %mul3A_116 = arith.mulf %sub3A_110, %sub3A_110 : vector<16xf32>
      %add3A_117 = arith.addf %mul3A_115, %mul3A_116 : vector<16xf32>
      %mul3A_118 = arith.mulf %sub3A_114, %sub3A_114 : vector<16xf32>
      %add3A_119 = arith.addf %add3A_117, %mul3A_118 : vector<16xf32>
      %swap3A_120 = arith.constant 64 : index
      %swap3A_121 = tpu.vector_load %arg17[%swap3A_120] {strides = array<i32>} : memref<192xf32, #tpu.memory_space<vmem>>, vector<16xf32>,
      tpu.vector_store %arg17[%swap3A_120], %add3A_119 {strides = array<i32>} : memref<192xf32, #tpu.memory_space<vmem>>, vector<16xf32>,
      %get3A_122 = arith.constant 80 : index
      %get3A_123 = tpu.vector_load %arg16[%get3A_122] {strides = array<i32>} : memref<192xi32, #tpu.memory_space<vmem>>, vector<16xi32>,
      %gather3A_124 = tpu.vector_load_idx %arg10[%get3A_123] : memref<8192xf32, #tpu.memory_space<vmem>>[vector<16xi32>], vector<16xf32>,
      %get3A_125 = arith.constant 80 : index
      %get3A_126 = tpu.vector_load %arg13[%get3A_125] {strides = array<i32>} : memref<192xf32, #tpu.memory_space<vmem>>, vector<16xf32>,
      %sub3A_127 = arith.subf %gather3A_124, %get3A_126 : vector<16xf32>
      %gather3A_128 = tpu.vector_load_idx %arg11[%get3A_123] : memref<8192xf32, #tpu.memory_space<vmem>>[vector<16xi32>], vector<16xf32>,
      %get3A_129 = arith.constant 80 : index
      %get3A_130 = tpu.vector_load %arg14[%get3A_129] {strides = array<i32>} : memref<192xf32, #tpu.memory_space<vmem>>, vector<16xf32>,
      %sub3A_131 = arith.subf %gather3A_128, %get3A_130 : vector<16xf32>
      %gather3A_132 = tpu.vector_load_idx %arg12[%get3A_123] : memref<8192xf32, #tpu.memory_space<vmem>>[vector<16xi32>], vector<16xf32>,
      %get3A_133 = arith.constant 80 : index
      %get3A_134 = tpu.vector_load %arg15[%get3A_133] {strides = array<i32>} : memref<192xf32, #tpu.memory_space<vmem>>, vector<16xf32>,
      %sub3A_135 = arith.subf %gather3A_132, %get3A_134 : vector<16xf32>
      %mul3A_136 = arith.mulf %sub3A_127, %sub3A_127 : vector<16xf32>
      %mul3A_137 = arith.mulf %sub3A_131, %sub3A_131 : vector<16xf32>
      %add3A_138 = arith.addf %mul3A_136, %mul3A_137 : vector<16xf32>
      %mul3A_139 = arith.mulf %sub3A_135, %sub3A_135 : vector<16xf32>
      %add3A_140 = arith.addf %add3A_138, %mul3A_139 : vector<16xf32>
      %swap3A_141 = arith.constant 80 : index
      %swap3A_142 = tpu.vector_load %arg17[%swap3A_141] {strides = array<i32>} : memref<192xf32, #tpu.memory_space<vmem>>, vector<16xf32>,
      tpu.vector_store %arg17[%swap3A_141], %add3A_140 {strides = array<i32>} : memref<192xf32, #tpu.memory_space<vmem>>, vector<16xf32>,
      %get3A_143 = arith.constant 96 : index
      %get3A_144 = tpu.vector_load %arg16[%get3A_143] {strides = array<i32>} : memref<192xi32, #tpu.memory_space<vmem>>, vector<16xi32>,
      %gather3A_145 = tpu.vector_load_idx %arg10[%get3A_144] : memref<8192xf32, #tpu.memory_space<vmem>>[vector<16xi32>], vector<16xf32>,
      %get3A_146 = arith.constant 96 : index
      %get3A_147 = tpu.vector_load %arg13[%get3A_146] {strides = array<i32>} : memref<192xf32, #tpu.memory_space<vmem>>, vector<16xf32>,
      %sub3A_148 = arith.subf %gather3A_145, %get3A_147 : vector<16xf32>
      %gather3A_149 = tpu.vector_load_idx %arg11[%get3A_144] : memref<8192xf32, #tpu.memory_space<vmem>>[vector<16xi32>], vector<16xf32>,
      %get3A_150 = arith.constant 96 : index
      %get3A_151 = tpu.vector_load %arg14[%get3A_150] {strides = array<i32>} : memref<192xf32, #tpu.memory_space<vmem>>, vector<16xf32>,
      %sub3A_152 = arith.subf %gather3A_149, %get3A_151 : vector<16xf32>
      %gather3A_153 = tpu.vector_load_idx %arg12[%get3A_144] : memref<8192xf32, #tpu.memory_space<vmem>>[vector<16xi32>], vector<16xf32>,
      %get3A_154 = arith.constant 96 : index
      %get3A_155 = tpu.vector_load %arg15[%get3A_154] {strides = array<i32>} : memref<192xf32, #tpu.memory_space<vmem>>, vector<16xf32>,
      %sub3A_156 = arith.subf %gather3A_153, %get3A_155 : vector<16xf32>
      %mul3A_157 = arith.mulf %sub3A_148, %sub3A_148 : vector<16xf32>
      %mul3A_158 = arith.mulf %sub3A_152, %sub3A_152 : vector<16xf32>
      %add3A_159 = arith.addf %mul3A_157, %mul3A_158 : vector<16xf32>
      %mul3A_160 = arith.mulf %sub3A_156, %sub3A_156 : vector<16xf32>
      %add3A_161 = arith.addf %add3A_159, %mul3A_160 : vector<16xf32>
      %swap3A_162 = arith.constant 96 : index
      %swap3A_163 = tpu.vector_load %arg17[%swap3A_162] {strides = array<i32>} : memref<192xf32, #tpu.memory_space<vmem>>, vector<16xf32>,
      tpu.vector_store %arg17[%swap3A_162], %add3A_161 {strides = array<i32>} : memref<192xf32, #tpu.memory_space<vmem>>, vector<16xf32>,
      %get3A_164 = arith.constant 112 : index
      %get3A_165 = tpu.vector_load %arg16[%get3A_164] {strides = array<i32>} : memref<192xi32, #tpu.memory_space<vmem>>, vector<16xi32>,
      %gather3A_166 = tpu.vector_load_idx %arg10[%get3A_165] : memref<8192xf32, #tpu.memory_space<vmem>>[vector<16xi32>], vector<16xf32>,
      %get3A_167 = arith.constant 112 : index
      %get3A_168 = tpu.vector_load %arg13[%get3A_167] {strides = array<i32>} : memref<192xf32, #tpu.memory_space<vmem>>, vector<16xf32>,
      %sub3A_169 = arith.subf %gather3A_166, %get3A_168 : vector<16xf32>
      %gather3A_170 = tpu.vector_load_idx %arg11[%get3A_165] : memref<8192xf32, #tpu.memory_space<vmem>>[vector<16xi32>], vector<16xf32>,
      %get3A_171 = arith.constant 112 : index
      %get3A_172 = tpu.vector_load %arg14[%get3A_171] {strides = array<i32>} : memref<192xf32, #tpu.memory_space<vmem>>, vector<16xf32>,
      %sub3A_173 = arith.subf %gather3A_170, %get3A_172 : vector<16xf32>
      %gather3A_174 = tpu.vector_load_idx %arg12[%get3A_165] : memref<8192xf32, #tpu.memory_space<vmem>>[vector<16xi32>], vector<16xf32>,
      %get3A_175 = arith.constant 112 : index
      %get3A_176 = tpu.vector_load %arg15[%get3A_175] {strides = array<i32>} : memref<192xf32, #tpu.memory_space<vmem>>, vector<16xf32>,
      %sub3A_177 = arith.subf %gather3A_174, %get3A_176 : vector<16xf32>
      %mul3A_178 = arith.mulf %sub3A_169, %sub3A_169 : vector<16xf32>
      %mul3A_179 = arith.mulf %sub3A_173, %sub3A_173 : vector<16xf32>
      %add3A_180 = arith.addf %mul3A_178, %mul3A_179 : vector<16xf32>
      %mul3A_181 = arith.mulf %sub3A_177, %sub3A_177 : vector<16xf32>
      %add3A_182 = arith.addf %add3A_180, %mul3A_181 : vector<16xf32>
      %swap3A_183 = arith.constant 112 : index
      %swap3A_184 = tpu.vector_load %arg17[%swap3A_183] {strides = array<i32>} : memref<192xf32, #tpu.memory_space<vmem>>, vector<16xf32>,
      tpu.vector_store %arg17[%swap3A_183], %add3A_182 {strides = array<i32>} : memref<192xf32, #tpu.memory_space<vmem>>, vector<16xf32>,
      %get3A_185 = arith.constant 128 : index
      %get3A_186 = tpu.vector_load %arg16[%get3A_185] {strides = array<i32>} : memref<192xi32, #tpu.memory_space<vmem>>, vector<16xi32>,
      %gather3A_187 = tpu.vector_load_idx %arg10[%get3A_186] : memref<8192xf32, #tpu.memory_space<vmem>>[vector<16xi32>], vector<16xf32>,
      %get3A_188 = arith.constant 128 : index
      %get3A_189 = tpu.vector_load %arg13[%get3A_188] {strides = array<i32>} : memref<192xf32, #tpu.memory_space<vmem>>, vector<16xf32>,
      %sub3A_190 = arith.subf %gather3A_187, %get3A_189 : vector<16xf32>
      %gather3A_191 = tpu.vector_load_idx %arg11[%get3A_186] : memref<8192xf32, #tpu.memory_space<vmem>>[vector<16xi32>], vector<16xf32>,
      %get3A_192 = arith.constant 128 : index
      %get3A_193 = tpu.vector_load %arg14[%get3A_192] {strides = array<i32>} : memref<192xf32, #tpu.memory_space<vmem>>, vector<16xf32>,
      %sub3A_194 = arith.subf %gather3A_191, %get3A_193 : vector<16xf32>
      %gather3A_195 = tpu.vector_load_idx %arg12[%get3A_186] : memref<8192xf32, #tpu.memory_space<vmem>>[vector<16xi32>], vector<16xf32>,
      %get3A_196 = arith.constant 128 : index
      %get3A_197 = tpu.vector_load %arg15[%get3A_196] {strides = array<i32>} : memref<192xf32, #tpu.memory_space<vmem>>, vector<16xf32>,
      %sub3A_198 = arith.subf %gather3A_195, %get3A_197 : vector<16xf32>
      %mul3A_199 = arith.mulf %sub3A_190, %sub3A_190 : vector<16xf32>
      %mul3A_200 = arith.mulf %sub3A_194, %sub3A_194 : vector<16xf32>
      %add3A_201 = arith.addf %mul3A_199, %mul3A_200 : vector<16xf32>
      %mul3A_202 = arith.mulf %sub3A_198, %sub3A_198 : vector<16xf32>
      %add3A_203 = arith.addf %add3A_201, %mul3A_202 : vector<16xf32>
      %swap3A_204 = arith.constant 128 : index
      %swap3A_205 = tpu.vector_load %arg17[%swap3A_204] {strides = array<i32>} : memref<192xf32, #tpu.memory_space<vmem>>, vector<16xf32>,
      tpu.vector_store %arg17[%swap3A_204], %add3A_203 {strides = array<i32>} : memref<192xf32, #tpu.memory_space<vmem>>, vector<16xf32>,
      %get3A_206 = arith.constant 144 : index
      %get3A_207 = tpu.vector_load %arg16[%get3A_206] {strides = array<i32>} : memref<192xi32, #tpu.memory_space<vmem>>, vector<16xi32>,
      %gather3A_208 = tpu.vector_load_idx %arg10[%get3A_207] : memref<8192xf32, #tpu.memory_space<vmem>>[vector<16xi32>], vector<16xf32>,
      %get3A_209 = arith.constant 144 : index
      %get3A_210 = tpu.vector_load %arg13[%get3A_209] {strides = array<i32>} : memref<192xf32, #tpu.memory_space<vmem>>, vector<16xf32>,
      %sub3A_211 = arith.subf %gather3A_208, %get3A_210 : vector<16xf32>
      %gather3A_212 = tpu.vector_load_idx %arg11[%get3A_207] : memref<8192xf32, #tpu.memory_space<vmem>>[vector<16xi32>], vector<16xf32>,
      %get3A_213 = arith.constant 144 : index
      %get3A_214 = tpu.vector_load %arg14[%get3A_213] {strides = array<i32>} : memref<192xf32, #tpu.memory_space<vmem>>, vector<16xf32>,
      %sub3A_215 = arith.subf %gather3A_212, %get3A_214 : vector<16xf32>
      %gather3A_216 = tpu.vector_load_idx %arg12[%get3A_207] : memref<8192xf32, #tpu.memory_space<vmem>>[vector<16xi32>], vector<16xf32>,
      %get3A_217 = arith.constant 144 : index
      %get3A_218 = tpu.vector_load %arg15[%get3A_217] {strides = array<i32>} : memref<192xf32, #tpu.memory_space<vmem>>, vector<16xf32>,
      %sub3A_219 = arith.subf %gather3A_216, %get3A_218 : vector<16xf32>
      %mul3A_220 = arith.mulf %sub3A_211, %sub3A_211 : vector<16xf32>
      %mul3A_221 = arith.mulf %sub3A_215, %sub3A_215 : vector<16xf32>
      %add3A_222 = arith.addf %mul3A_220, %mul3A_221 : vector<16xf32>
      %mul3A_223 = arith.mulf %sub3A_219, %sub3A_219 : vector<16xf32>
      %add3A_224 = arith.addf %add3A_222, %mul3A_223 : vector<16xf32>
      %swap3A_225 = arith.constant 144 : index
      %swap3A_226 = tpu.vector_load %arg17[%swap3A_225] {strides = array<i32>} : memref<192xf32, #tpu.memory_space<vmem>>, vector<16xf32>,
      tpu.vector_store %arg17[%swap3A_225], %add3A_224 {strides = array<i32>} : memref<192xf32, #tpu.memory_space<vmem>>, vector<16xf32>,
      %get3A_227 = arith.constant 160 : index
      %get3A_228 = tpu.vector_load %arg16[%get3A_227] {strides = array<i32>} : memref<192xi32, #tpu.memory_space<vmem>>, vector<16xi32>,
      %gather3A_229 = tpu.vector_load_idx %arg10[%get3A_228] : memref<8192xf32, #tpu.memory_space<vmem>>[vector<16xi32>], vector<16xf32>,
      %get3A_230 = arith.constant 160 : index
      %get3A_231 = tpu.vector_load %arg13[%get3A_230] {strides = array<i32>} : memref<192xf32, #tpu.memory_space<vmem>>, vector<16xf32>,
      %sub3A_232 = arith.subf %gather3A_229, %get3A_231 : vector<16xf32>
      %gather3A_233 = tpu.vector_load_idx %arg11[%get3A_228] : memref<8192xf32, #tpu.memory_space<vmem>>[vector<16xi32>], vector<16xf32>,
      %get3A_234 = arith.constant 160 : index
      %get3A_235 = tpu.vector_load %arg14[%get3A_234] {strides = array<i32>} : memref<192xf32, #tpu.memory_space<vmem>>, vector<16xf32>,
      %sub3A_236 = arith.subf %gather3A_233, %get3A_235 : vector<16xf32>
      %gather3A_237 = tpu.vector_load_idx %arg12[%get3A_228] : memref<8192xf32, #tpu.memory_space<vmem>>[vector<16xi32>], vector<16xf32>,
      %get3A_238 = arith.constant 160 : index
      %get3A_239 = tpu.vector_load %arg15[%get3A_238] {strides = array<i32>} : memref<192xf32, #tpu.memory_space<vmem>>, vector<16xf32>,
      %sub3A_240 = arith.subf %gather3A_237, %get3A_239 : vector<16xf32>
      %mul3A_241 = arith.mulf %sub3A_232, %sub3A_232 : vector<16xf32>
      %mul3A_242 = arith.mulf %sub3A_236, %sub3A_236 : vector<16xf32>
      %add3A_243 = arith.addf %mul3A_241, %mul3A_242 : vector<16xf32>
      %mul3A_244 = arith.mulf %sub3A_240, %sub3A_240 : vector<16xf32>
      %add3A_245 = arith.addf %add3A_243, %mul3A_244 : vector<16xf32>
      %swap3A_246 = arith.constant 160 : index
      %swap3A_247 = tpu.vector_load %arg17[%swap3A_246] {strides = array<i32>} : memref<192xf32, #tpu.memory_space<vmem>>, vector<16xf32>,
      tpu.vector_store %arg17[%swap3A_246], %add3A_245 {strides = array<i32>} : memref<192xf32, #tpu.memory_space<vmem>>, vector<16xf32>,
      %get3A_248 = arith.constant 176 : index
      %get3A_249 = tpu.vector_load %arg16[%get3A_248] {strides = array<i32>} : memref<192xi32, #tpu.memory_space<vmem>>, vector<16xi32>,
      %gather3A_250 = tpu.vector_load_idx %arg10[%get3A_249] : memref<8192xf32, #tpu.memory_space<vmem>>[vector<16xi32>], vector<16xf32>,
      %get3A_251 = arith.constant 176 : index
      %get3A_252 = tpu.vector_load %arg13[%get3A_251] {strides = array<i32>} : memref<192xf32, #tpu.memory_space<vmem>>, vector<16xf32>,
      %sub3A_253 = arith.subf %gather3A_250, %get3A_252 : vector<16xf32>
      %gather3A_254 = tpu.vector_load_idx %arg11[%get3A_249] : memref<8192xf32, #tpu.memory_space<vmem>>[vector<16xi32>], vector<16xf32>,
      %get3A_255 = arith.constant 176 : index
      %get3A_256 = tpu.vector_load %arg14[%get3A_255] {strides = array<i32>} : memref<192xf32, #tpu.memory_space<vmem>>, vector<16xf32>,
      %sub3A_257 = arith.subf %gather3A_254, %get3A_256 : vector<16xf32>
      %gather3A_258 = tpu.vector_load_idx %arg12[%get3A_249] : memref<8192xf32, #tpu.memory_space<vmem>>[vector<16xi32>], vector<16xf32>,
      %get3A_259 = arith.constant 176 : index
      %get3A_260 = tpu.vector_load %arg15[%get3A_259] {strides = array<i32>} : memref<192xf32, #tpu.memory_space<vmem>>, vector<16xf32>,
      %sub3A_261 = arith.subf %gather3A_258, %get3A_260 : vector<16xf32>
      %mul3A_262 = arith.mulf %sub3A_253, %sub3A_253 : vector<16xf32>
      %mul3A_263 = arith.mulf %sub3A_257, %sub3A_257 : vector<16xf32>
      %add3A_264 = arith.addf %mul3A_262, %mul3A_263 : vector<16xf32>
      %mul3A_265 = arith.mulf %sub3A_261, %sub3A_261 : vector<16xf32>
      %add3A_266 = arith.addf %add3A_264, %mul3A_265 : vector<16xf32>
      %swap3A_267 = arith.constant 176 : index
      %swap3A_268 = tpu.vector_load %arg17[%swap3A_267] {strides = array<i32>} : memref<192xf32, #tpu.memory_space<vmem>>, vector<16xf32>,
      tpu.vector_store %arg17[%swap3A_267], %add3A_266 {strides = array<i32>} : memref<192xf32, #tpu.memory_space<vmem>>, vector<16xf32>,
      "tpu.region"() ({
        %run_scoped3A = tpu.sem_alloc : memref<!tpu.dma_semaphore, #tpu.memory_space<semaphore_mem>>
        %dma_start3A_269 = tpu.memref_slice %arg9[%mul3A_2] : memref<6144xf32, #tpu.memory_space<hbm>> -> memref<192xf32, #tpu.memory_space<hbm>>
        %dma_start3A_270 = tpu.memref_slice %arg9[%mul3A_2] : memref<6144xf32, #tpu.memory_space<hbm>> -> memref<192xf32, #tpu.memory_space<hbm>>
        tpu.enqueue_dma source(%arg17 : memref<192xf32, #tpu.memory_space<vmem>>) target(%dma_start3A_270 : memref<192xf32, #tpu.memory_space<hbm>>) target_semaphore(%run_scoped3A : memref<!tpu.dma_semaphore, #tpu.memory_space<semaphore_mem>>)
        %dma_wait3A_271 = tpu.memref_slice %arg9[%mul3A_2] : memref<6144xf32, #tpu.memory_space<hbm>> -> memref<192xf32, #tpu.memory_space<hbm>>
        %dma_wait3A_272 = tpu.memref_slice %arg9[%mul3A_2] : memref<6144xf32, #tpu.memory_space<hbm>> -> memref<192xf32, #tpu.memory_space<hbm>>
        tpu.wait_dma2 semaphore(%run_scoped3A : memref<!tpu.dma_semaphore, #tpu.memory_space<semaphore_mem>>) src(%arg17 : memref<192xf32, #tpu.memory_space<vmem>>) dst(%dma_wait3A_272 : memref<192xf32, #tpu.memory_space<hbm>>)
        tpu.yield
      }) : () -> ()
    } else {
    }
    return
  }
}

#map = affine_map<(d0, d1) -> (0)>
module attributes {stable_mosaic.version = 14 : i64} {
  func.func @residual_kernel(%arg0: i32, %arg1: i32, %arg2: memref<8192xf32, #tpu.memory_space<hbm>>, %arg3: memref<8192xf32, #tpu.memory_space<hbm>>, %arg4: memref<8192xf32, #tpu.memory_space<hbm>>, %arg5: memref<8192xf32, #tpu.memory_space<hbm>>, %arg6: memref<8192xf32, #tpu.memory_space<hbm>>, %arg7: memref<8192xf32, #tpu.memory_space<hbm>>, %arg8: memref<2048xi32, #tpu.memory_space<hbm>>, %arg9: memref<2048xf32, #tpu.memory_space<hbm>>, %arg10: memref<8192xf32, #tpu.memory_space<vmem>>, %arg11: memref<8192xf32, #tpu.memory_space<vmem>>, %arg12: memref<8192xf32, #tpu.memory_space<vmem>>, %arg13: memref<256xf32, #tpu.memory_space<vmem>>, %arg14: memref<256xf32, #tpu.memory_space<vmem>>, %arg15: memref<256xf32, #tpu.memory_space<vmem>>, %arg16: memref<256xi32, #tpu.memory_space<vmem>>, %arg17: memref<256xf32, #tpu.memory_space<vmem>>, %arg18: memref<!tpu.dma_semaphore, #tpu.memory_space<semaphore_mem>>) attributes {dimension_semantics = [#tpu.dimension_semantics<core_parallel>, #tpu.dimension_semantics<subcore_parallel>], iteration_bounds = array<i64: 2, 16>, scalar_prefetch = 0 : i64, scratch_operands = 9 : i64, tpu.core_type = #tpu.core_type<sc_vector_subcore>, window_params = [{transform_indices = #map}, {transform_indices = #map}, {transform_indices = #map}, {transform_indices = #map}, {transform_indices = #map}, {transform_indices = #map}, {transform_indices = #map}, {transform_indices = #map}]} {
    %mul3A = arith.constant 2 : i32
    %mul3A_0 = arith.muli %arg1, %mul3A : i32
    %add3A = arith.addi %mul3A_0, %arg0 : i32
    %mul3A_1 = arith.constant 256 : i32
    %mul3A_2 = arith.muli %add3A, %mul3A_1 : i32
    %add3A_3 = arith.constant 0 : i32
    %add3A_4 = arith.addi %add3A_3, %mul3A_2 : i32
    %lt3A = arith.constant 8 : i32
    %lt3A_5 = arith.cmpi slt, %add3A, %lt3A : i32
    %convert_element_type3A = arith.extui %lt3A_5 : i1 to i32
    %cond3A = arith.constant 0 : i32
    %cond3A_6 = arith.cmpi ne, %convert_element_type3A, %cond3A : i32
    scf.if %cond3A_6 {
      tpu.enqueue_dma source(%arg2 : memref<8192xf32, #tpu.memory_space<hbm>>) target(%arg10 : memref<8192xf32, #tpu.memory_space<vmem>>) target_semaphore(%arg18 : memref<!tpu.dma_semaphore, #tpu.memory_space<semaphore_mem>>)
      tpu.enqueue_dma source(%arg3 : memref<8192xf32, #tpu.memory_space<hbm>>) target(%arg11 : memref<8192xf32, #tpu.memory_space<vmem>>) target_semaphore(%arg18 : memref<!tpu.dma_semaphore, #tpu.memory_space<semaphore_mem>>)
      tpu.enqueue_dma source(%arg4 : memref<8192xf32, #tpu.memory_space<hbm>>) target(%arg12 : memref<8192xf32, #tpu.memory_space<vmem>>) target_semaphore(%arg18 : memref<!tpu.dma_semaphore, #tpu.memory_space<semaphore_mem>>)
      %dma_start3A = tpu.memref_slice %arg5[%add3A_4] : memref<8192xf32, #tpu.memory_space<hbm>> -> memref<256xf32, #tpu.memory_space<hbm>>
      %dma_start3A_7 = tpu.memref_slice %arg5[%add3A_4] : memref<8192xf32, #tpu.memory_space<hbm>> -> memref<256xf32, #tpu.memory_space<hbm>>
      tpu.enqueue_dma source(%dma_start3A_7 : memref<256xf32, #tpu.memory_space<hbm>>) target(%arg13 : memref<256xf32, #tpu.memory_space<vmem>>) target_semaphore(%arg18 : memref<!tpu.dma_semaphore, #tpu.memory_space<semaphore_mem>>)
      %dma_start3A_8 = tpu.memref_slice %arg6[%add3A_4] : memref<8192xf32, #tpu.memory_space<hbm>> -> memref<256xf32, #tpu.memory_space<hbm>>
      %dma_start3A_9 = tpu.memref_slice %arg6[%add3A_4] : memref<8192xf32, #tpu.memory_space<hbm>> -> memref<256xf32, #tpu.memory_space<hbm>>
      tpu.enqueue_dma source(%dma_start3A_9 : memref<256xf32, #tpu.memory_space<hbm>>) target(%arg14 : memref<256xf32, #tpu.memory_space<vmem>>) target_semaphore(%arg18 : memref<!tpu.dma_semaphore, #tpu.memory_space<semaphore_mem>>)
      %dma_start3A_10 = tpu.memref_slice %arg7[%add3A_4] : memref<8192xf32, #tpu.memory_space<hbm>> -> memref<256xf32, #tpu.memory_space<hbm>>
      %dma_start3A_11 = tpu.memref_slice %arg7[%add3A_4] : memref<8192xf32, #tpu.memory_space<hbm>> -> memref<256xf32, #tpu.memory_space<hbm>>
      tpu.enqueue_dma source(%dma_start3A_11 : memref<256xf32, #tpu.memory_space<hbm>>) target(%arg15 : memref<256xf32, #tpu.memory_space<vmem>>) target_semaphore(%arg18 : memref<!tpu.dma_semaphore, #tpu.memory_space<semaphore_mem>>)
      %dma_start3A_12 = tpu.memref_slice %arg8[%mul3A_2] : memref<2048xi32, #tpu.memory_space<hbm>> -> memref<256xi32, #tpu.memory_space<hbm>>
      %dma_start3A_13 = tpu.memref_slice %arg8[%mul3A_2] : memref<2048xi32, #tpu.memory_space<hbm>> -> memref<256xi32, #tpu.memory_space<hbm>>
      tpu.enqueue_dma source(%dma_start3A_13 : memref<256xi32, #tpu.memory_space<hbm>>) target(%arg16 : memref<256xi32, #tpu.memory_space<vmem>>) target_semaphore(%arg18 : memref<!tpu.dma_semaphore, #tpu.memory_space<semaphore_mem>>)
      tpu.wait_dma2 semaphore(%arg18 : memref<!tpu.dma_semaphore, #tpu.memory_space<semaphore_mem>>) src(%arg2 : memref<8192xf32, #tpu.memory_space<hbm>>) dst(%arg10 : memref<8192xf32, #tpu.memory_space<vmem>>)
      tpu.wait_dma2 semaphore(%arg18 : memref<!tpu.dma_semaphore, #tpu.memory_space<semaphore_mem>>) src(%arg3 : memref<8192xf32, #tpu.memory_space<hbm>>) dst(%arg11 : memref<8192xf32, #tpu.memory_space<vmem>>)
      tpu.wait_dma2 semaphore(%arg18 : memref<!tpu.dma_semaphore, #tpu.memory_space<semaphore_mem>>) src(%arg4 : memref<8192xf32, #tpu.memory_space<hbm>>) dst(%arg12 : memref<8192xf32, #tpu.memory_space<vmem>>)
      %dma_wait3A = tpu.memref_slice %arg5[%add3A_4] : memref<8192xf32, #tpu.memory_space<hbm>> -> memref<256xf32, #tpu.memory_space<hbm>>
      %dma_wait3A_14 = tpu.memref_slice %arg5[%add3A_4] : memref<8192xf32, #tpu.memory_space<hbm>> -> memref<256xf32, #tpu.memory_space<hbm>>
      tpu.wait_dma2 semaphore(%arg18 : memref<!tpu.dma_semaphore, #tpu.memory_space<semaphore_mem>>) src(%dma_wait3A_14 : memref<256xf32, #tpu.memory_space<hbm>>) dst(%arg13 : memref<256xf32, #tpu.memory_space<vmem>>)
      %dma_wait3A_15 = tpu.memref_slice %arg6[%add3A_4] : memref<8192xf32, #tpu.memory_space<hbm>> -> memref<256xf32, #tpu.memory_space<hbm>>
      %dma_wait3A_16 = tpu.memref_slice %arg6[%add3A_4] : memref<8192xf32, #tpu.memory_space<hbm>> -> memref<256xf32, #tpu.memory_space<hbm>>
      tpu.wait_dma2 semaphore(%arg18 : memref<!tpu.dma_semaphore, #tpu.memory_space<semaphore_mem>>) src(%dma_wait3A_16 : memref<256xf32, #tpu.memory_space<hbm>>) dst(%arg14 : memref<256xf32, #tpu.memory_space<vmem>>)
      %dma_wait3A_17 = tpu.memref_slice %arg7[%add3A_4] : memref<8192xf32, #tpu.memory_space<hbm>> -> memref<256xf32, #tpu.memory_space<hbm>>
      %dma_wait3A_18 = tpu.memref_slice %arg7[%add3A_4] : memref<8192xf32, #tpu.memory_space<hbm>> -> memref<256xf32, #tpu.memory_space<hbm>>
      tpu.wait_dma2 semaphore(%arg18 : memref<!tpu.dma_semaphore, #tpu.memory_space<semaphore_mem>>) src(%dma_wait3A_18 : memref<256xf32, #tpu.memory_space<hbm>>) dst(%arg15 : memref<256xf32, #tpu.memory_space<vmem>>)
      %dma_wait3A_19 = tpu.memref_slice %arg8[%mul3A_2] : memref<2048xi32, #tpu.memory_space<hbm>> -> memref<256xi32, #tpu.memory_space<hbm>>
      %dma_wait3A_20 = tpu.memref_slice %arg8[%mul3A_2] : memref<2048xi32, #tpu.memory_space<hbm>> -> memref<256xi32, #tpu.memory_space<hbm>>
      tpu.wait_dma2 semaphore(%arg18 : memref<!tpu.dma_semaphore, #tpu.memory_space<semaphore_mem>>) src(%dma_wait3A_20 : memref<256xi32, #tpu.memory_space<hbm>>) dst(%arg16 : memref<256xi32, #tpu.memory_space<vmem>>)
      %get3A = arith.constant 0 : index
      %get3A_21 = tpu.vector_load %arg16[%get3A] {strides = array<i32>} : memref<256xi32, #tpu.memory_space<vmem>>, vector<16xi32>,
      %gather3A = tpu.vector_load_idx %arg10[%get3A_21] : memref<8192xf32, #tpu.memory_space<vmem>>[vector<16xi32>], vector<16xf32>,
      %get3A_22 = arith.constant 0 : index
      %get3A_23 = tpu.vector_load %arg13[%get3A_22] {strides = array<i32>} : memref<256xf32, #tpu.memory_space<vmem>>, vector<16xf32>,
      %sub3A = arith.subf %gather3A, %get3A_23 : vector<16xf32>
      %gather3A_24 = tpu.vector_load_idx %arg11[%get3A_21] : memref<8192xf32, #tpu.memory_space<vmem>>[vector<16xi32>], vector<16xf32>,
      %get3A_25 = arith.constant 0 : index
      %get3A_26 = tpu.vector_load %arg14[%get3A_25] {strides = array<i32>} : memref<256xf32, #tpu.memory_space<vmem>>, vector<16xf32>,
      %sub3A_27 = arith.subf %gather3A_24, %get3A_26 : vector<16xf32>
      %gather3A_28 = tpu.vector_load_idx %arg12[%get3A_21] : memref<8192xf32, #tpu.memory_space<vmem>>[vector<16xi32>], vector<16xf32>,
      %get3A_29 = arith.constant 0 : index
      %get3A_30 = tpu.vector_load %arg15[%get3A_29] {strides = array<i32>} : memref<256xf32, #tpu.memory_space<vmem>>, vector<16xf32>,
      %sub3A_31 = arith.subf %gather3A_28, %get3A_30 : vector<16xf32>
      %mul3A_32 = arith.mulf %sub3A, %sub3A : vector<16xf32>
      %mul3A_33 = arith.mulf %sub3A_27, %sub3A_27 : vector<16xf32>
      %add3A_34 = arith.addf %mul3A_32, %mul3A_33 : vector<16xf32>
      %mul3A_35 = arith.mulf %sub3A_31, %sub3A_31 : vector<16xf32>
      %add3A_36 = arith.addf %add3A_34, %mul3A_35 : vector<16xf32>
      %swap3A = arith.constant 0 : index
      %swap3A_37 = tpu.vector_load %arg17[%swap3A] {strides = array<i32>} : memref<256xf32, #tpu.memory_space<vmem>>, vector<16xf32>,
      tpu.vector_store %arg17[%swap3A], %add3A_36 {strides = array<i32>} : memref<256xf32, #tpu.memory_space<vmem>>, vector<16xf32>,
      %get3A_38 = arith.constant 16 : index
      %get3A_39 = tpu.vector_load %arg16[%get3A_38] {strides = array<i32>} : memref<256xi32, #tpu.memory_space<vmem>>, vector<16xi32>,
      %gather3A_40 = tpu.vector_load_idx %arg10[%get3A_39] : memref<8192xf32, #tpu.memory_space<vmem>>[vector<16xi32>], vector<16xf32>,
      %get3A_41 = arith.constant 16 : index
      %get3A_42 = tpu.vector_load %arg13[%get3A_41] {strides = array<i32>} : memref<256xf32, #tpu.memory_space<vmem>>, vector<16xf32>,
      %sub3A_43 = arith.subf %gather3A_40, %get3A_42 : vector<16xf32>
      %gather3A_44 = tpu.vector_load_idx %arg11[%get3A_39] : memref<8192xf32, #tpu.memory_space<vmem>>[vector<16xi32>], vector<16xf32>,
      %get3A_45 = arith.constant 16 : index
      %get3A_46 = tpu.vector_load %arg14[%get3A_45] {strides = array<i32>} : memref<256xf32, #tpu.memory_space<vmem>>, vector<16xf32>,
      %sub3A_47 = arith.subf %gather3A_44, %get3A_46 : vector<16xf32>
      %gather3A_48 = tpu.vector_load_idx %arg12[%get3A_39] : memref<8192xf32, #tpu.memory_space<vmem>>[vector<16xi32>], vector<16xf32>,
      %get3A_49 = arith.constant 16 : index
      %get3A_50 = tpu.vector_load %arg15[%get3A_49] {strides = array<i32>} : memref<256xf32, #tpu.memory_space<vmem>>, vector<16xf32>,
      %sub3A_51 = arith.subf %gather3A_48, %get3A_50 : vector<16xf32>
      %mul3A_52 = arith.mulf %sub3A_43, %sub3A_43 : vector<16xf32>
      %mul3A_53 = arith.mulf %sub3A_47, %sub3A_47 : vector<16xf32>
      %add3A_54 = arith.addf %mul3A_52, %mul3A_53 : vector<16xf32>
      %mul3A_55 = arith.mulf %sub3A_51, %sub3A_51 : vector<16xf32>
      %add3A_56 = arith.addf %add3A_54, %mul3A_55 : vector<16xf32>
      %swap3A_57 = arith.constant 16 : index
      %swap3A_58 = tpu.vector_load %arg17[%swap3A_57] {strides = array<i32>} : memref<256xf32, #tpu.memory_space<vmem>>, vector<16xf32>,
      tpu.vector_store %arg17[%swap3A_57], %add3A_56 {strides = array<i32>} : memref<256xf32, #tpu.memory_space<vmem>>, vector<16xf32>,
      %get3A_59 = arith.constant 32 : index
      %get3A_60 = tpu.vector_load %arg16[%get3A_59] {strides = array<i32>} : memref<256xi32, #tpu.memory_space<vmem>>, vector<16xi32>,
      %gather3A_61 = tpu.vector_load_idx %arg10[%get3A_60] : memref<8192xf32, #tpu.memory_space<vmem>>[vector<16xi32>], vector<16xf32>,
      %get3A_62 = arith.constant 32 : index
      %get3A_63 = tpu.vector_load %arg13[%get3A_62] {strides = array<i32>} : memref<256xf32, #tpu.memory_space<vmem>>, vector<16xf32>,
      %sub3A_64 = arith.subf %gather3A_61, %get3A_63 : vector<16xf32>
      %gather3A_65 = tpu.vector_load_idx %arg11[%get3A_60] : memref<8192xf32, #tpu.memory_space<vmem>>[vector<16xi32>], vector<16xf32>,
      %get3A_66 = arith.constant 32 : index
      %get3A_67 = tpu.vector_load %arg14[%get3A_66] {strides = array<i32>} : memref<256xf32, #tpu.memory_space<vmem>>, vector<16xf32>,
      %sub3A_68 = arith.subf %gather3A_65, %get3A_67 : vector<16xf32>
      %gather3A_69 = tpu.vector_load_idx %arg12[%get3A_60] : memref<8192xf32, #tpu.memory_space<vmem>>[vector<16xi32>], vector<16xf32>,
      %get3A_70 = arith.constant 32 : index
      %get3A_71 = tpu.vector_load %arg15[%get3A_70] {strides = array<i32>} : memref<256xf32, #tpu.memory_space<vmem>>, vector<16xf32>,
      %sub3A_72 = arith.subf %gather3A_69, %get3A_71 : vector<16xf32>
      %mul3A_73 = arith.mulf %sub3A_64, %sub3A_64 : vector<16xf32>
      %mul3A_74 = arith.mulf %sub3A_68, %sub3A_68 : vector<16xf32>
      %add3A_75 = arith.addf %mul3A_73, %mul3A_74 : vector<16xf32>
      %mul3A_76 = arith.mulf %sub3A_72, %sub3A_72 : vector<16xf32>
      %add3A_77 = arith.addf %add3A_75, %mul3A_76 : vector<16xf32>
      %swap3A_78 = arith.constant 32 : index
      %swap3A_79 = tpu.vector_load %arg17[%swap3A_78] {strides = array<i32>} : memref<256xf32, #tpu.memory_space<vmem>>, vector<16xf32>,
      tpu.vector_store %arg17[%swap3A_78], %add3A_77 {strides = array<i32>} : memref<256xf32, #tpu.memory_space<vmem>>, vector<16xf32>,
      %get3A_80 = arith.constant 48 : index
      %get3A_81 = tpu.vector_load %arg16[%get3A_80] {strides = array<i32>} : memref<256xi32, #tpu.memory_space<vmem>>, vector<16xi32>,
      %gather3A_82 = tpu.vector_load_idx %arg10[%get3A_81] : memref<8192xf32, #tpu.memory_space<vmem>>[vector<16xi32>], vector<16xf32>,
      %get3A_83 = arith.constant 48 : index
      %get3A_84 = tpu.vector_load %arg13[%get3A_83] {strides = array<i32>} : memref<256xf32, #tpu.memory_space<vmem>>, vector<16xf32>,
      %sub3A_85 = arith.subf %gather3A_82, %get3A_84 : vector<16xf32>
      %gather3A_86 = tpu.vector_load_idx %arg11[%get3A_81] : memref<8192xf32, #tpu.memory_space<vmem>>[vector<16xi32>], vector<16xf32>,
      %get3A_87 = arith.constant 48 : index
      %get3A_88 = tpu.vector_load %arg14[%get3A_87] {strides = array<i32>} : memref<256xf32, #tpu.memory_space<vmem>>, vector<16xf32>,
      %sub3A_89 = arith.subf %gather3A_86, %get3A_88 : vector<16xf32>
      %gather3A_90 = tpu.vector_load_idx %arg12[%get3A_81] : memref<8192xf32, #tpu.memory_space<vmem>>[vector<16xi32>], vector<16xf32>,
      %get3A_91 = arith.constant 48 : index
      %get3A_92 = tpu.vector_load %arg15[%get3A_91] {strides = array<i32>} : memref<256xf32, #tpu.memory_space<vmem>>, vector<16xf32>,
      %sub3A_93 = arith.subf %gather3A_90, %get3A_92 : vector<16xf32>
      %mul3A_94 = arith.mulf %sub3A_85, %sub3A_85 : vector<16xf32>
      %mul3A_95 = arith.mulf %sub3A_89, %sub3A_89 : vector<16xf32>
      %add3A_96 = arith.addf %mul3A_94, %mul3A_95 : vector<16xf32>
      %mul3A_97 = arith.mulf %sub3A_93, %sub3A_93 : vector<16xf32>
      %add3A_98 = arith.addf %add3A_96, %mul3A_97 : vector<16xf32>
      %swap3A_99 = arith.constant 48 : index
      %swap3A_100 = tpu.vector_load %arg17[%swap3A_99] {strides = array<i32>} : memref<256xf32, #tpu.memory_space<vmem>>, vector<16xf32>,
      tpu.vector_store %arg17[%swap3A_99], %add3A_98 {strides = array<i32>} : memref<256xf32, #tpu.memory_space<vmem>>, vector<16xf32>,
      %get3A_101 = arith.constant 64 : index
      %get3A_102 = tpu.vector_load %arg16[%get3A_101] {strides = array<i32>} : memref<256xi32, #tpu.memory_space<vmem>>, vector<16xi32>,
      %gather3A_103 = tpu.vector_load_idx %arg10[%get3A_102] : memref<8192xf32, #tpu.memory_space<vmem>>[vector<16xi32>], vector<16xf32>,
      %get3A_104 = arith.constant 64 : index
      %get3A_105 = tpu.vector_load %arg13[%get3A_104] {strides = array<i32>} : memref<256xf32, #tpu.memory_space<vmem>>, vector<16xf32>,
      %sub3A_106 = arith.subf %gather3A_103, %get3A_105 : vector<16xf32>
      %gather3A_107 = tpu.vector_load_idx %arg11[%get3A_102] : memref<8192xf32, #tpu.memory_space<vmem>>[vector<16xi32>], vector<16xf32>,
      %get3A_108 = arith.constant 64 : index
      %get3A_109 = tpu.vector_load %arg14[%get3A_108] {strides = array<i32>} : memref<256xf32, #tpu.memory_space<vmem>>, vector<16xf32>,
      %sub3A_110 = arith.subf %gather3A_107, %get3A_109 : vector<16xf32>
      %gather3A_111 = tpu.vector_load_idx %arg12[%get3A_102] : memref<8192xf32, #tpu.memory_space<vmem>>[vector<16xi32>], vector<16xf32>,
      %get3A_112 = arith.constant 64 : index
      %get3A_113 = tpu.vector_load %arg15[%get3A_112] {strides = array<i32>} : memref<256xf32, #tpu.memory_space<vmem>>, vector<16xf32>,
      %sub3A_114 = arith.subf %gather3A_111, %get3A_113 : vector<16xf32>
      %mul3A_115 = arith.mulf %sub3A_106, %sub3A_106 : vector<16xf32>
      %mul3A_116 = arith.mulf %sub3A_110, %sub3A_110 : vector<16xf32>
      %add3A_117 = arith.addf %mul3A_115, %mul3A_116 : vector<16xf32>
      %mul3A_118 = arith.mulf %sub3A_114, %sub3A_114 : vector<16xf32>
      %add3A_119 = arith.addf %add3A_117, %mul3A_118 : vector<16xf32>
      %swap3A_120 = arith.constant 64 : index
      %swap3A_121 = tpu.vector_load %arg17[%swap3A_120] {strides = array<i32>} : memref<256xf32, #tpu.memory_space<vmem>>, vector<16xf32>,
      tpu.vector_store %arg17[%swap3A_120], %add3A_119 {strides = array<i32>} : memref<256xf32, #tpu.memory_space<vmem>>, vector<16xf32>,
      %get3A_122 = arith.constant 80 : index
      %get3A_123 = tpu.vector_load %arg16[%get3A_122] {strides = array<i32>} : memref<256xi32, #tpu.memory_space<vmem>>, vector<16xi32>,
      %gather3A_124 = tpu.vector_load_idx %arg10[%get3A_123] : memref<8192xf32, #tpu.memory_space<vmem>>[vector<16xi32>], vector<16xf32>,
      %get3A_125 = arith.constant 80 : index
      %get3A_126 = tpu.vector_load %arg13[%get3A_125] {strides = array<i32>} : memref<256xf32, #tpu.memory_space<vmem>>, vector<16xf32>,
      %sub3A_127 = arith.subf %gather3A_124, %get3A_126 : vector<16xf32>
      %gather3A_128 = tpu.vector_load_idx %arg11[%get3A_123] : memref<8192xf32, #tpu.memory_space<vmem>>[vector<16xi32>], vector<16xf32>,
      %get3A_129 = arith.constant 80 : index
      %get3A_130 = tpu.vector_load %arg14[%get3A_129] {strides = array<i32>} : memref<256xf32, #tpu.memory_space<vmem>>, vector<16xf32>,
      %sub3A_131 = arith.subf %gather3A_128, %get3A_130 : vector<16xf32>
      %gather3A_132 = tpu.vector_load_idx %arg12[%get3A_123] : memref<8192xf32, #tpu.memory_space<vmem>>[vector<16xi32>], vector<16xf32>,
      %get3A_133 = arith.constant 80 : index
      %get3A_134 = tpu.vector_load %arg15[%get3A_133] {strides = array<i32>} : memref<256xf32, #tpu.memory_space<vmem>>, vector<16xf32>,
      %sub3A_135 = arith.subf %gather3A_132, %get3A_134 : vector<16xf32>
      %mul3A_136 = arith.mulf %sub3A_127, %sub3A_127 : vector<16xf32>
      %mul3A_137 = arith.mulf %sub3A_131, %sub3A_131 : vector<16xf32>
      %add3A_138 = arith.addf %mul3A_136, %mul3A_137 : vector<16xf32>
      %mul3A_139 = arith.mulf %sub3A_135, %sub3A_135 : vector<16xf32>
      %add3A_140 = arith.addf %add3A_138, %mul3A_139 : vector<16xf32>
      %swap3A_141 = arith.constant 80 : index
      %swap3A_142 = tpu.vector_load %arg17[%swap3A_141] {strides = array<i32>} : memref<256xf32, #tpu.memory_space<vmem>>, vector<16xf32>,
      tpu.vector_store %arg17[%swap3A_141], %add3A_140 {strides = array<i32>} : memref<256xf32, #tpu.memory_space<vmem>>, vector<16xf32>,
      %get3A_143 = arith.constant 96 : index
      %get3A_144 = tpu.vector_load %arg16[%get3A_143] {strides = array<i32>} : memref<256xi32, #tpu.memory_space<vmem>>, vector<16xi32>,
      %gather3A_145 = tpu.vector_load_idx %arg10[%get3A_144] : memref<8192xf32, #tpu.memory_space<vmem>>[vector<16xi32>], vector<16xf32>,
      %get3A_146 = arith.constant 96 : index
      %get3A_147 = tpu.vector_load %arg13[%get3A_146] {strides = array<i32>} : memref<256xf32, #tpu.memory_space<vmem>>, vector<16xf32>,
      %sub3A_148 = arith.subf %gather3A_145, %get3A_147 : vector<16xf32>
      %gather3A_149 = tpu.vector_load_idx %arg11[%get3A_144] : memref<8192xf32, #tpu.memory_space<vmem>>[vector<16xi32>], vector<16xf32>,
      %get3A_150 = arith.constant 96 : index
      %get3A_151 = tpu.vector_load %arg14[%get3A_150] {strides = array<i32>} : memref<256xf32, #tpu.memory_space<vmem>>, vector<16xf32>,
      %sub3A_152 = arith.subf %gather3A_149, %get3A_151 : vector<16xf32>
      %gather3A_153 = tpu.vector_load_idx %arg12[%get3A_144] : memref<8192xf32, #tpu.memory_space<vmem>>[vector<16xi32>], vector<16xf32>,
      %get3A_154 = arith.constant 96 : index
      %get3A_155 = tpu.vector_load %arg15[%get3A_154] {strides = array<i32>} : memref<256xf32, #tpu.memory_space<vmem>>, vector<16xf32>,
      %sub3A_156 = arith.subf %gather3A_153, %get3A_155 : vector<16xf32>
      %mul3A_157 = arith.mulf %sub3A_148, %sub3A_148 : vector<16xf32>
      %mul3A_158 = arith.mulf %sub3A_152, %sub3A_152 : vector<16xf32>
      %add3A_159 = arith.addf %mul3A_157, %mul3A_158 : vector<16xf32>
      %mul3A_160 = arith.mulf %sub3A_156, %sub3A_156 : vector<16xf32>
      %add3A_161 = arith.addf %add3A_159, %mul3A_160 : vector<16xf32>
      %swap3A_162 = arith.constant 96 : index
      %swap3A_163 = tpu.vector_load %arg17[%swap3A_162] {strides = array<i32>} : memref<256xf32, #tpu.memory_space<vmem>>, vector<16xf32>,
      tpu.vector_store %arg17[%swap3A_162], %add3A_161 {strides = array<i32>} : memref<256xf32, #tpu.memory_space<vmem>>, vector<16xf32>,
      %get3A_164 = arith.constant 112 : index
      %get3A_165 = tpu.vector_load %arg16[%get3A_164] {strides = array<i32>} : memref<256xi32, #tpu.memory_space<vmem>>, vector<16xi32>,
      %gather3A_166 = tpu.vector_load_idx %arg10[%get3A_165] : memref<8192xf32, #tpu.memory_space<vmem>>[vector<16xi32>], vector<16xf32>,
      %get3A_167 = arith.constant 112 : index
      %get3A_168 = tpu.vector_load %arg13[%get3A_167] {strides = array<i32>} : memref<256xf32, #tpu.memory_space<vmem>>, vector<16xf32>,
      %sub3A_169 = arith.subf %gather3A_166, %get3A_168 : vector<16xf32>
      %gather3A_170 = tpu.vector_load_idx %arg11[%get3A_165] : memref<8192xf32, #tpu.memory_space<vmem>>[vector<16xi32>], vector<16xf32>,
      %get3A_171 = arith.constant 112 : index
      %get3A_172 = tpu.vector_load %arg14[%get3A_171] {strides = array<i32>} : memref<256xf32, #tpu.memory_space<vmem>>, vector<16xf32>,
      %sub3A_173 = arith.subf %gather3A_170, %get3A_172 : vector<16xf32>
      %gather3A_174 = tpu.vector_load_idx %arg12[%get3A_165] : memref<8192xf32, #tpu.memory_space<vmem>>[vector<16xi32>], vector<16xf32>,
      %get3A_175 = arith.constant 112 : index
      %get3A_176 = tpu.vector_load %arg15[%get3A_175] {strides = array<i32>} : memref<256xf32, #tpu.memory_space<vmem>>, vector<16xf32>,
      %sub3A_177 = arith.subf %gather3A_174, %get3A_176 : vector<16xf32>
      %mul3A_178 = arith.mulf %sub3A_169, %sub3A_169 : vector<16xf32>
      %mul3A_179 = arith.mulf %sub3A_173, %sub3A_173 : vector<16xf32>
      %add3A_180 = arith.addf %mul3A_178, %mul3A_179 : vector<16xf32>
      %mul3A_181 = arith.mulf %sub3A_177, %sub3A_177 : vector<16xf32>
      %add3A_182 = arith.addf %add3A_180, %mul3A_181 : vector<16xf32>
      %swap3A_183 = arith.constant 112 : index
      %swap3A_184 = tpu.vector_load %arg17[%swap3A_183] {strides = array<i32>} : memref<256xf32, #tpu.memory_space<vmem>>, vector<16xf32>,
      tpu.vector_store %arg17[%swap3A_183], %add3A_182 {strides = array<i32>} : memref<256xf32, #tpu.memory_space<vmem>>, vector<16xf32>,
      %get3A_185 = arith.constant 128 : index
      %get3A_186 = tpu.vector_load %arg16[%get3A_185] {strides = array<i32>} : memref<256xi32, #tpu.memory_space<vmem>>, vector<16xi32>,
      %gather3A_187 = tpu.vector_load_idx %arg10[%get3A_186] : memref<8192xf32, #tpu.memory_space<vmem>>[vector<16xi32>], vector<16xf32>,
      %get3A_188 = arith.constant 128 : index
      %get3A_189 = tpu.vector_load %arg13[%get3A_188] {strides = array<i32>} : memref<256xf32, #tpu.memory_space<vmem>>, vector<16xf32>,
      %sub3A_190 = arith.subf %gather3A_187, %get3A_189 : vector<16xf32>
      %gather3A_191 = tpu.vector_load_idx %arg11[%get3A_186] : memref<8192xf32, #tpu.memory_space<vmem>>[vector<16xi32>], vector<16xf32>,
      %get3A_192 = arith.constant 128 : index
      %get3A_193 = tpu.vector_load %arg14[%get3A_192] {strides = array<i32>} : memref<256xf32, #tpu.memory_space<vmem>>, vector<16xf32>,
      %sub3A_194 = arith.subf %gather3A_191, %get3A_193 : vector<16xf32>
      %gather3A_195 = tpu.vector_load_idx %arg12[%get3A_186] : memref<8192xf32, #tpu.memory_space<vmem>>[vector<16xi32>], vector<16xf32>,
      %get3A_196 = arith.constant 128 : index
      %get3A_197 = tpu.vector_load %arg15[%get3A_196] {strides = array<i32>} : memref<256xf32, #tpu.memory_space<vmem>>, vector<16xf32>,
      %sub3A_198 = arith.subf %gather3A_195, %get3A_197 : vector<16xf32>
      %mul3A_199 = arith.mulf %sub3A_190, %sub3A_190 : vector<16xf32>
      %mul3A_200 = arith.mulf %sub3A_194, %sub3A_194 : vector<16xf32>
      %add3A_201 = arith.addf %mul3A_199, %mul3A_200 : vector<16xf32>
      %mul3A_202 = arith.mulf %sub3A_198, %sub3A_198 : vector<16xf32>
      %add3A_203 = arith.addf %add3A_201, %mul3A_202 : vector<16xf32>
      %swap3A_204 = arith.constant 128 : index
      %swap3A_205 = tpu.vector_load %arg17[%swap3A_204] {strides = array<i32>} : memref<256xf32, #tpu.memory_space<vmem>>, vector<16xf32>,
      tpu.vector_store %arg17[%swap3A_204], %add3A_203 {strides = array<i32>} : memref<256xf32, #tpu.memory_space<vmem>>, vector<16xf32>,
      %get3A_206 = arith.constant 144 : index
      %get3A_207 = tpu.vector_load %arg16[%get3A_206] {strides = array<i32>} : memref<256xi32, #tpu.memory_space<vmem>>, vector<16xi32>,
      %gather3A_208 = tpu.vector_load_idx %arg10[%get3A_207] : memref<8192xf32, #tpu.memory_space<vmem>>[vector<16xi32>], vector<16xf32>,
      %get3A_209 = arith.constant 144 : index
      %get3A_210 = tpu.vector_load %arg13[%get3A_209] {strides = array<i32>} : memref<256xf32, #tpu.memory_space<vmem>>, vector<16xf32>,
      %sub3A_211 = arith.subf %gather3A_208, %get3A_210 : vector<16xf32>
      %gather3A_212 = tpu.vector_load_idx %arg11[%get3A_207] : memref<8192xf32, #tpu.memory_space<vmem>>[vector<16xi32>], vector<16xf32>,
      %get3A_213 = arith.constant 144 : index
      %get3A_214 = tpu.vector_load %arg14[%get3A_213] {strides = array<i32>} : memref<256xf32, #tpu.memory_space<vmem>>, vector<16xf32>,
      %sub3A_215 = arith.subf %gather3A_212, %get3A_214 : vector<16xf32>
      %gather3A_216 = tpu.vector_load_idx %arg12[%get3A_207] : memref<8192xf32, #tpu.memory_space<vmem>>[vector<16xi32>], vector<16xf32>,
      %get3A_217 = arith.constant 144 : index
      %get3A_218 = tpu.vector_load %arg15[%get3A_217] {strides = array<i32>} : memref<256xf32, #tpu.memory_space<vmem>>, vector<16xf32>,
      %sub3A_219 = arith.subf %gather3A_216, %get3A_218 : vector<16xf32>
      %mul3A_220 = arith.mulf %sub3A_211, %sub3A_211 : vector<16xf32>
      %mul3A_221 = arith.mulf %sub3A_215, %sub3A_215 : vector<16xf32>
      %add3A_222 = arith.addf %mul3A_220, %mul3A_221 : vector<16xf32>
      %mul3A_223 = arith.mulf %sub3A_219, %sub3A_219 : vector<16xf32>
      %add3A_224 = arith.addf %add3A_222, %mul3A_223 : vector<16xf32>
      %swap3A_225 = arith.constant 144 : index
      %swap3A_226 = tpu.vector_load %arg17[%swap3A_225] {strides = array<i32>} : memref<256xf32, #tpu.memory_space<vmem>>, vector<16xf32>,
      tpu.vector_store %arg17[%swap3A_225], %add3A_224 {strides = array<i32>} : memref<256xf32, #tpu.memory_space<vmem>>, vector<16xf32>,
      %get3A_227 = arith.constant 160 : index
      %get3A_228 = tpu.vector_load %arg16[%get3A_227] {strides = array<i32>} : memref<256xi32, #tpu.memory_space<vmem>>, vector<16xi32>,
      %gather3A_229 = tpu.vector_load_idx %arg10[%get3A_228] : memref<8192xf32, #tpu.memory_space<vmem>>[vector<16xi32>], vector<16xf32>,
      %get3A_230 = arith.constant 160 : index
      %get3A_231 = tpu.vector_load %arg13[%get3A_230] {strides = array<i32>} : memref<256xf32, #tpu.memory_space<vmem>>, vector<16xf32>,
      %sub3A_232 = arith.subf %gather3A_229, %get3A_231 : vector<16xf32>
      %gather3A_233 = tpu.vector_load_idx %arg11[%get3A_228] : memref<8192xf32, #tpu.memory_space<vmem>>[vector<16xi32>], vector<16xf32>,
      %get3A_234 = arith.constant 160 : index
      %get3A_235 = tpu.vector_load %arg14[%get3A_234] {strides = array<i32>} : memref<256xf32, #tpu.memory_space<vmem>>, vector<16xf32>,
      %sub3A_236 = arith.subf %gather3A_233, %get3A_235 : vector<16xf32>
      %gather3A_237 = tpu.vector_load_idx %arg12[%get3A_228] : memref<8192xf32, #tpu.memory_space<vmem>>[vector<16xi32>], vector<16xf32>,
      %get3A_238 = arith.constant 160 : index
      %get3A_239 = tpu.vector_load %arg15[%get3A_238] {strides = array<i32>} : memref<256xf32, #tpu.memory_space<vmem>>, vector<16xf32>,
      %sub3A_240 = arith.subf %gather3A_237, %get3A_239 : vector<16xf32>
      %mul3A_241 = arith.mulf %sub3A_232, %sub3A_232 : vector<16xf32>
      %mul3A_242 = arith.mulf %sub3A_236, %sub3A_236 : vector<16xf32>
      %add3A_243 = arith.addf %mul3A_241, %mul3A_242 : vector<16xf32>
      %mul3A_244 = arith.mulf %sub3A_240, %sub3A_240 : vector<16xf32>
      %add3A_245 = arith.addf %add3A_243, %mul3A_244 : vector<16xf32>
      %swap3A_246 = arith.constant 160 : index
      %swap3A_247 = tpu.vector_load %arg17[%swap3A_246] {strides = array<i32>} : memref<256xf32, #tpu.memory_space<vmem>>, vector<16xf32>,
      tpu.vector_store %arg17[%swap3A_246], %add3A_245 {strides = array<i32>} : memref<256xf32, #tpu.memory_space<vmem>>, vector<16xf32>,
      %get3A_248 = arith.constant 176 : index
      %get3A_249 = tpu.vector_load %arg16[%get3A_248] {strides = array<i32>} : memref<256xi32, #tpu.memory_space<vmem>>, vector<16xi32>,
      %gather3A_250 = tpu.vector_load_idx %arg10[%get3A_249] : memref<8192xf32, #tpu.memory_space<vmem>>[vector<16xi32>], vector<16xf32>,
      %get3A_251 = arith.constant 176 : index
      %get3A_252 = tpu.vector_load %arg13[%get3A_251] {strides = array<i32>} : memref<256xf32, #tpu.memory_space<vmem>>, vector<16xf32>,
      %sub3A_253 = arith.subf %gather3A_250, %get3A_252 : vector<16xf32>
      %gather3A_254 = tpu.vector_load_idx %arg11[%get3A_249] : memref<8192xf32, #tpu.memory_space<vmem>>[vector<16xi32>], vector<16xf32>,
      %get3A_255 = arith.constant 176 : index
      %get3A_256 = tpu.vector_load %arg14[%get3A_255] {strides = array<i32>} : memref<256xf32, #tpu.memory_space<vmem>>, vector<16xf32>,
      %sub3A_257 = arith.subf %gather3A_254, %get3A_256 : vector<16xf32>
      %gather3A_258 = tpu.vector_load_idx %arg12[%get3A_249] : memref<8192xf32, #tpu.memory_space<vmem>>[vector<16xi32>], vector<16xf32>,
      %get3A_259 = arith.constant 176 : index
      %get3A_260 = tpu.vector_load %arg15[%get3A_259] {strides = array<i32>} : memref<256xf32, #tpu.memory_space<vmem>>, vector<16xf32>,
      %sub3A_261 = arith.subf %gather3A_258, %get3A_260 : vector<16xf32>
      %mul3A_262 = arith.mulf %sub3A_253, %sub3A_253 : vector<16xf32>
      %mul3A_263 = arith.mulf %sub3A_257, %sub3A_257 : vector<16xf32>
      %add3A_264 = arith.addf %mul3A_262, %mul3A_263 : vector<16xf32>
      %mul3A_265 = arith.mulf %sub3A_261, %sub3A_261 : vector<16xf32>
      %add3A_266 = arith.addf %add3A_264, %mul3A_265 : vector<16xf32>
      %swap3A_267 = arith.constant 176 : index
      %swap3A_268 = tpu.vector_load %arg17[%swap3A_267] {strides = array<i32>} : memref<256xf32, #tpu.memory_space<vmem>>, vector<16xf32>,
      tpu.vector_store %arg17[%swap3A_267], %add3A_266 {strides = array<i32>} : memref<256xf32, #tpu.memory_space<vmem>>, vector<16xf32>,
      %get3A_269 = arith.constant 192 : index
      %get3A_270 = tpu.vector_load %arg16[%get3A_269] {strides = array<i32>} : memref<256xi32, #tpu.memory_space<vmem>>, vector<16xi32>,
      %gather3A_271 = tpu.vector_load_idx %arg10[%get3A_270] : memref<8192xf32, #tpu.memory_space<vmem>>[vector<16xi32>], vector<16xf32>,
      %get3A_272 = arith.constant 192 : index
      %get3A_273 = tpu.vector_load %arg13[%get3A_272] {strides = array<i32>} : memref<256xf32, #tpu.memory_space<vmem>>, vector<16xf32>,
      %sub3A_274 = arith.subf %gather3A_271, %get3A_273 : vector<16xf32>
      %gather3A_275 = tpu.vector_load_idx %arg11[%get3A_270] : memref<8192xf32, #tpu.memory_space<vmem>>[vector<16xi32>], vector<16xf32>,
      %get3A_276 = arith.constant 192 : index
      %get3A_277 = tpu.vector_load %arg14[%get3A_276] {strides = array<i32>} : memref<256xf32, #tpu.memory_space<vmem>>, vector<16xf32>,
      %sub3A_278 = arith.subf %gather3A_275, %get3A_277 : vector<16xf32>
      %gather3A_279 = tpu.vector_load_idx %arg12[%get3A_270] : memref<8192xf32, #tpu.memory_space<vmem>>[vector<16xi32>], vector<16xf32>,
      %get3A_280 = arith.constant 192 : index
      %get3A_281 = tpu.vector_load %arg15[%get3A_280] {strides = array<i32>} : memref<256xf32, #tpu.memory_space<vmem>>, vector<16xf32>,
      %sub3A_282 = arith.subf %gather3A_279, %get3A_281 : vector<16xf32>
      %mul3A_283 = arith.mulf %sub3A_274, %sub3A_274 : vector<16xf32>
      %mul3A_284 = arith.mulf %sub3A_278, %sub3A_278 : vector<16xf32>
      %add3A_285 = arith.addf %mul3A_283, %mul3A_284 : vector<16xf32>
      %mul3A_286 = arith.mulf %sub3A_282, %sub3A_282 : vector<16xf32>
      %add3A_287 = arith.addf %add3A_285, %mul3A_286 : vector<16xf32>
      %swap3A_288 = arith.constant 192 : index
      %swap3A_289 = tpu.vector_load %arg17[%swap3A_288] {strides = array<i32>} : memref<256xf32, #tpu.memory_space<vmem>>, vector<16xf32>,
      tpu.vector_store %arg17[%swap3A_288], %add3A_287 {strides = array<i32>} : memref<256xf32, #tpu.memory_space<vmem>>, vector<16xf32>,
      %get3A_290 = arith.constant 208 : index
      %get3A_291 = tpu.vector_load %arg16[%get3A_290] {strides = array<i32>} : memref<256xi32, #tpu.memory_space<vmem>>, vector<16xi32>,
      %gather3A_292 = tpu.vector_load_idx %arg10[%get3A_291] : memref<8192xf32, #tpu.memory_space<vmem>>[vector<16xi32>], vector<16xf32>,
      %get3A_293 = arith.constant 208 : index
      %get3A_294 = tpu.vector_load %arg13[%get3A_293] {strides = array<i32>} : memref<256xf32, #tpu.memory_space<vmem>>, vector<16xf32>,
      %sub3A_295 = arith.subf %gather3A_292, %get3A_294 : vector<16xf32>
      %gather3A_296 = tpu.vector_load_idx %arg11[%get3A_291] : memref<8192xf32, #tpu.memory_space<vmem>>[vector<16xi32>], vector<16xf32>,
      %get3A_297 = arith.constant 208 : index
      %get3A_298 = tpu.vector_load %arg14[%get3A_297] {strides = array<i32>} : memref<256xf32, #tpu.memory_space<vmem>>, vector<16xf32>,
      %sub3A_299 = arith.subf %gather3A_296, %get3A_298 : vector<16xf32>
      %gather3A_300 = tpu.vector_load_idx %arg12[%get3A_291] : memref<8192xf32, #tpu.memory_space<vmem>>[vector<16xi32>], vector<16xf32>,
      %get3A_301 = arith.constant 208 : index
      %get3A_302 = tpu.vector_load %arg15[%get3A_301] {strides = array<i32>} : memref<256xf32, #tpu.memory_space<vmem>>, vector<16xf32>,
      %sub3A_303 = arith.subf %gather3A_300, %get3A_302 : vector<16xf32>
      %mul3A_304 = arith.mulf %sub3A_295, %sub3A_295 : vector<16xf32>
      %mul3A_305 = arith.mulf %sub3A_299, %sub3A_299 : vector<16xf32>
      %add3A_306 = arith.addf %mul3A_304, %mul3A_305 : vector<16xf32>
      %mul3A_307 = arith.mulf %sub3A_303, %sub3A_303 : vector<16xf32>
      %add3A_308 = arith.addf %add3A_306, %mul3A_307 : vector<16xf32>
      %swap3A_309 = arith.constant 208 : index
      %swap3A_310 = tpu.vector_load %arg17[%swap3A_309] {strides = array<i32>} : memref<256xf32, #tpu.memory_space<vmem>>, vector<16xf32>,
      tpu.vector_store %arg17[%swap3A_309], %add3A_308 {strides = array<i32>} : memref<256xf32, #tpu.memory_space<vmem>>, vector<16xf32>,
      %get3A_311 = arith.constant 224 : index
      %get3A_312 = tpu.vector_load %arg16[%get3A_311] {strides = array<i32>} : memref<256xi32, #tpu.memory_space<vmem>>, vector<16xi32>,
      %gather3A_313 = tpu.vector_load_idx %arg10[%get3A_312] : memref<8192xf32, #tpu.memory_space<vmem>>[vector<16xi32>], vector<16xf32>,
      %get3A_314 = arith.constant 224 : index
      %get3A_315 = tpu.vector_load %arg13[%get3A_314] {strides = array<i32>} : memref<256xf32, #tpu.memory_space<vmem>>, vector<16xf32>,
      %sub3A_316 = arith.subf %gather3A_313, %get3A_315 : vector<16xf32>
      %gather3A_317 = tpu.vector_load_idx %arg11[%get3A_312] : memref<8192xf32, #tpu.memory_space<vmem>>[vector<16xi32>], vector<16xf32>,
      %get3A_318 = arith.constant 224 : index
      %get3A_319 = tpu.vector_load %arg14[%get3A_318] {strides = array<i32>} : memref<256xf32, #tpu.memory_space<vmem>>, vector<16xf32>,
      %sub3A_320 = arith.subf %gather3A_317, %get3A_319 : vector<16xf32>
      %gather3A_321 = tpu.vector_load_idx %arg12[%get3A_312] : memref<8192xf32, #tpu.memory_space<vmem>>[vector<16xi32>], vector<16xf32>,
      %get3A_322 = arith.constant 224 : index
      %get3A_323 = tpu.vector_load %arg15[%get3A_322] {strides = array<i32>} : memref<256xf32, #tpu.memory_space<vmem>>, vector<16xf32>,
      %sub3A_324 = arith.subf %gather3A_321, %get3A_323 : vector<16xf32>
      %mul3A_325 = arith.mulf %sub3A_316, %sub3A_316 : vector<16xf32>
      %mul3A_326 = arith.mulf %sub3A_320, %sub3A_320 : vector<16xf32>
      %add3A_327 = arith.addf %mul3A_325, %mul3A_326 : vector<16xf32>
      %mul3A_328 = arith.mulf %sub3A_324, %sub3A_324 : vector<16xf32>
      %add3A_329 = arith.addf %add3A_327, %mul3A_328 : vector<16xf32>
      %swap3A_330 = arith.constant 224 : index
      %swap3A_331 = tpu.vector_load %arg17[%swap3A_330] {strides = array<i32>} : memref<256xf32, #tpu.memory_space<vmem>>, vector<16xf32>,
      tpu.vector_store %arg17[%swap3A_330], %add3A_329 {strides = array<i32>} : memref<256xf32, #tpu.memory_space<vmem>>, vector<16xf32>,
      %get3A_332 = arith.constant 240 : index
      %get3A_333 = tpu.vector_load %arg16[%get3A_332] {strides = array<i32>} : memref<256xi32, #tpu.memory_space<vmem>>, vector<16xi32>,
      %gather3A_334 = tpu.vector_load_idx %arg10[%get3A_333] : memref<8192xf32, #tpu.memory_space<vmem>>[vector<16xi32>], vector<16xf32>,
      %get3A_335 = arith.constant 240 : index
      %get3A_336 = tpu.vector_load %arg13[%get3A_335] {strides = array<i32>} : memref<256xf32, #tpu.memory_space<vmem>>, vector<16xf32>,
      %sub3A_337 = arith.subf %gather3A_334, %get3A_336 : vector<16xf32>
      %gather3A_338 = tpu.vector_load_idx %arg11[%get3A_333] : memref<8192xf32, #tpu.memory_space<vmem>>[vector<16xi32>], vector<16xf32>,
      %get3A_339 = arith.constant 240 : index
      %get3A_340 = tpu.vector_load %arg14[%get3A_339] {strides = array<i32>} : memref<256xf32, #tpu.memory_space<vmem>>, vector<16xf32>,
      %sub3A_341 = arith.subf %gather3A_338, %get3A_340 : vector<16xf32>
      %gather3A_342 = tpu.vector_load_idx %arg12[%get3A_333] : memref<8192xf32, #tpu.memory_space<vmem>>[vector<16xi32>], vector<16xf32>,
      %get3A_343 = arith.constant 240 : index
      %get3A_344 = tpu.vector_load %arg15[%get3A_343] {strides = array<i32>} : memref<256xf32, #tpu.memory_space<vmem>>, vector<16xf32>,
      %sub3A_345 = arith.subf %gather3A_342, %get3A_344 : vector<16xf32>
      %mul3A_346 = arith.mulf %sub3A_337, %sub3A_337 : vector<16xf32>
      %mul3A_347 = arith.mulf %sub3A_341, %sub3A_341 : vector<16xf32>
      %add3A_348 = arith.addf %mul3A_346, %mul3A_347 : vector<16xf32>
      %mul3A_349 = arith.mulf %sub3A_345, %sub3A_345 : vector<16xf32>
      %add3A_350 = arith.addf %add3A_348, %mul3A_349 : vector<16xf32>
      %swap3A_351 = arith.constant 240 : index
      %swap3A_352 = tpu.vector_load %arg17[%swap3A_351] {strides = array<i32>} : memref<256xf32, #tpu.memory_space<vmem>>, vector<16xf32>,
      tpu.vector_store %arg17[%swap3A_351], %add3A_350 {strides = array<i32>} : memref<256xf32, #tpu.memory_space<vmem>>, vector<16xf32>,
      "tpu.region"() ({
        %run_scoped3A = tpu.sem_alloc : memref<!tpu.dma_semaphore, #tpu.memory_space<semaphore_mem>>
        %dma_start3A_353 = tpu.memref_slice %arg9[%mul3A_2] : memref<2048xf32, #tpu.memory_space<hbm>> -> memref<256xf32, #tpu.memory_space<hbm>>
        %dma_start3A_354 = tpu.memref_slice %arg9[%mul3A_2] : memref<2048xf32, #tpu.memory_space<hbm>> -> memref<256xf32, #tpu.memory_space<hbm>>
        tpu.enqueue_dma source(%arg17 : memref<256xf32, #tpu.memory_space<vmem>>) target(%dma_start3A_354 : memref<256xf32, #tpu.memory_space<hbm>>) target_semaphore(%run_scoped3A : memref<!tpu.dma_semaphore, #tpu.memory_space<semaphore_mem>>)
        %dma_wait3A_355 = tpu.memref_slice %arg9[%mul3A_2] : memref<2048xf32, #tpu.memory_space<hbm>> -> memref<256xf32, #tpu.memory_space<hbm>>
        %dma_wait3A_356 = tpu.memref_slice %arg9[%mul3A_2] : memref<2048xf32, #tpu.memory_space<hbm>> -> memref<256xf32, #tpu.memory_space<hbm>>
        tpu.wait_dma2 semaphore(%run_scoped3A : memref<!tpu.dma_semaphore, #tpu.memory_space<semaphore_mem>>) src(%arg17 : memref<256xf32, #tpu.memory_space<vmem>>) dst(%dma_wait3A_356 : memref<256xf32, #tpu.memory_space<hbm>>)
        tpu.yield
      }) : () -> ()
    } else {
    }
    return
  }
}

module attributes {stable_mosaic.version = 14 : i64} {
  func.func @_argmin_body(%arg0: i32, %arg1: memref<4x8192xf32, #tpu.memory_space<vmem>>, %arg2: memref<4x2048xf32, #tpu.memory_space<vmem>>, %arg3: memref<2048xi32, #tpu.memory_space<vmem>>) attributes {dimension_semantics = [#tpu.dimension_semantics<arbitrary>], iteration_bounds = array<i64: 1>, scalar_prefetch = 0 : i64, scratch_operands = 0 : i64, tpu.core_type = #tpu.core_type<tc>, window_params = [{pipeline_mode = #tpu.pipeline_mode<synchronous>, transform_indices = @transform_0, window_bounds = array<i64: 4, 8192>}, {transform_indices = @transform_1, window_bounds = array<i64: 4, 2048>}, {transform_indices = @transform_2, window_bounds = array<i64: 2048>}]} {
    %get3A = arith.constant 0 : index
    %get3A_0 = arith.constant 0 : index
    %get3A_1 = vector.load %arg1[%get3A, %get3A_0] : memref<4x8192xf32, #tpu.memory_space<vmem>>, vector<4x8192xf32>
    %get3A_2 = arith.constant 0 : index
    %get3A_3 = arith.constant 0 : index
    %get3A_4 = vector.load %arg2[%get3A_2, %get3A_3] : memref<4x2048xf32, #tpu.memory_space<vmem>>, vector<4x2048xf32>
    %dot_general3A = arith.constant dense<0.000000e+00> : vector<8192x2048xf32>
    %dot_general3A_5 = tpu.matmul %get3A_1, %get3A_4, %dot_general3A {dimension_numbers = #tpu.dot_dimension_numbers<[0], [0], [1], [1], [0, 1, 1, 1], [], []>, transpose_lhs_hint = false} : vector<4x8192xf32>, vector<4x2048xf32>, vector<8192x2048xf32> -> vector<8192x2048xf32>
    %argmin3A = tpu.reduce_index %dot_general3A_5 {axis = 0 : i32, kind = #tpu.reduction_kind<arg_min>} : vector<8192x2048xf32> -> vector<2048xi32>
    %swap3A = arith.constant 0 : index
    %swap3A_6 = vector.load %arg3[%swap3A] : memref<2048xi32, #tpu.memory_space<vmem>>, vector<2048xi32>
    tpu.vector_store %arg3[%swap3A], %argmin3A {strides = array<i32>} : memref<2048xi32, #tpu.memory_space<vmem>>, vector<2048xi32>,
    return
  }
  func.func @transform_0(%arg0: i32) -> (i32, i32) {
    %c0_i32 = arith.constant 0 : i32
    %c0_i32_0 = arith.constant 0 : i32
    %c0_i32_1 = arith.constant 0 : i32
    return %c0_i32, %c0_i32_0 : i32, i32
  }
  func.func @transform_1(%arg0: i32) -> (i32, i32) {
    %add3A = arith.constant 0 : i32
    %add3A_0 = arith.addi %arg0, %add3A : i32
    %c0_i32 = arith.constant 0 : i32
    %c0_i32_1 = arith.constant 0 : i32
    return %c0_i32, %add3A_0 : i32, i32
  }
  func.func @transform_2(%arg0: i32) -> i32 {
    %c0_i32 = arith.constant 0 : i32
    return %arg0 : i32
  }
}

module attributes {stable_mosaic.version = 14 : i64} {
  func.func @_argmin_body(%arg0: i32, %arg1: memref<4x8192xf32, #tpu.memory_space<vmem>>, %arg2: memref<4x2048xf32, #tpu.memory_space<vmem>>, %arg3: memref<2048xi32, #tpu.memory_space<vmem>>) attributes {dimension_semantics = [#tpu.dimension_semantics<arbitrary>], iteration_bounds = array<i64: 3>, scalar_prefetch = 0 : i64, scratch_operands = 0 : i64, tpu.core_type = #tpu.core_type<tc>, window_params = [{pipeline_mode = #tpu.pipeline_mode<synchronous>, transform_indices = @transform_0, window_bounds = array<i64: 4, 8192>}, {transform_indices = @transform_1, window_bounds = array<i64: 4, 2048>}, {transform_indices = @transform_2, window_bounds = array<i64: 2048>}]} {
    %get3A = arith.constant 0 : index
    %get3A_0 = arith.constant 0 : index
    %get3A_1 = vector.load %arg1[%get3A, %get3A_0] : memref<4x8192xf32, #tpu.memory_space<vmem>>, vector<4x8192xf32>
    %get3A_2 = arith.constant 0 : index
    %get3A_3 = arith.constant 0 : index
    %get3A_4 = vector.load %arg2[%get3A_2, %get3A_3] : memref<4x2048xf32, #tpu.memory_space<vmem>>, vector<4x2048xf32>
    %dot_general3A = arith.constant dense<0.000000e+00> : vector<8192x2048xf32>
    %dot_general3A_5 = tpu.matmul %get3A_1, %get3A_4, %dot_general3A {dimension_numbers = #tpu.dot_dimension_numbers<[0], [0], [1], [1], [0, 1, 1, 1], [], []>, transpose_lhs_hint = false} : vector<4x8192xf32>, vector<4x2048xf32>, vector<8192x2048xf32> -> vector<8192x2048xf32>
    %argmin3A = tpu.reduce_index %dot_general3A_5 {axis = 0 : i32, kind = #tpu.reduction_kind<arg_min>} : vector<8192x2048xf32> -> vector<2048xi32>
    %swap3A = arith.constant 0 : index
    %swap3A_6 = vector.load %arg3[%swap3A] : memref<2048xi32, #tpu.memory_space<vmem>>, vector<2048xi32>
    tpu.vector_store %arg3[%swap3A], %argmin3A {strides = array<i32>} : memref<2048xi32, #tpu.memory_space<vmem>>, vector<2048xi32>,
    return
  }
  func.func @transform_0(%arg0: i32) -> (i32, i32) {
    %c0_i32 = arith.constant 0 : i32
    %c0_i32_0 = arith.constant 0 : i32
    %c0_i32_1 = arith.constant 0 : i32
    return %c0_i32, %c0_i32_0 : i32, i32
  }
  func.func @transform_1(%arg0: i32) -> (i32, i32) {
    %add3A = arith.constant 1 : i32
    %add3A_0 = arith.addi %arg0, %add3A : i32
    %c0_i32 = arith.constant 0 : i32
    %c0_i32_1 = arith.constant 0 : i32
    return %c0_i32, %add3A_0 : i32, i32
  }
  func.func @transform_2(%arg0: i32) -> i32 {
    %c0_i32 = arith.constant 0 : i32
    return %arg0 : i32
  }
}

module attributes {stable_mosaic.version = 14 : i64} {
  func.func @_loss_body(%arg0: memref<1x1xf32, #tpu.memory_space<vmem>>, %arg1: memref<16x128xf32, #tpu.memory_space<vmem>>, %arg2: memref<1x1xf32, #tpu.memory_space<vmem>>) attributes {dimension_semantics = [], scalar_prefetch = 0 : i64, scratch_operands = 0 : i64, tpu.core_type = #tpu.core_type<tc>} {
    %get3A = arith.constant 0 : index
    %get3A_0 = arith.constant 0 : index
    %get3A_1 = vector.load %arg0[%get3A, %get3A_0] : memref<1x1xf32, #tpu.memory_space<vmem>>, vector<1x1xf32>
    %get3A_2 = vector.extract %get3A_1[0, 0] : f32 from vector<1x1xf32>
    %get3A_3 = arith.constant 0 : index
    %get3A_4 = arith.constant 0 : index
    %get3A_5 = vector.load %arg1[%get3A_3, %get3A_4] : memref<16x128xf32, #tpu.memory_space<vmem>>, vector<16x128xf32>
    %sqrt3A = math.sqrt %get3A_5 : vector<16x128xf32>
    %reduce_sum3A = vector.shape_cast %sqrt3A : vector<16x128xf32> to vector<1x16x128xf32>
    %reduce_sum3A_6 = arith.constant dense<0.000000e+00> : vector<1xf32>
    %reduce_sum3A_7 = vector.multi_reduction <add>, %reduce_sum3A, %reduce_sum3A_6 [1, 2] : vector<1x16x128xf32> to vector<1xf32>
    %reduce_sum3A_8 = vector.shape_cast %reduce_sum3A_7 : vector<1xf32> to vector<1x1x1xf32>
    %reduce_sum3A_9 = vector.extract %reduce_sum3A_8[0, 0, 0] : f32 from vector<1x1x1xf32>
    %add3A = arith.addf %get3A_2, %reduce_sum3A_9 : f32
    %div3A = arith.constant 8.192000e+03 : f32
    %div3A_10 = arith.divf %add3A, %div3A : f32
    %reshape3A = vector.broadcast %div3A_10 : f32 to vector<1x1xf32>
    %swap3A = arith.constant 0 : index
    %swap3A_11 = arith.constant 0 : index
    %swap3A_12 = vector.load %arg2[%swap3A, %swap3A_11] : memref<1x1xf32, #tpu.memory_space<vmem>>, vector<1x1xf32>
    tpu.vector_store %arg2[%swap3A, %swap3A_11], %reshape3A {strides = array<i32>} : memref<1x1xf32, #tpu.memory_space<vmem>>, vector<1x1xf32>,
    return
  }
}

module attributes {stable_mosaic.version = 14 : i64} {
  func.func @_partial_body(%arg0: memref<48x128xf32, #tpu.memory_space<vmem>>, %arg1: memref<1x1xf32, #tpu.memory_space<vmem>>) attributes {dimension_semantics = [], scalar_prefetch = 0 : i64, scratch_operands = 0 : i64, tpu.core_type = #tpu.core_type<tc>} {
    %get3A = arith.constant 0 : index
    %get3A_0 = arith.constant 0 : index
    %get3A_1 = vector.load %arg0[%get3A, %get3A_0] : memref<48x128xf32, #tpu.memory_space<vmem>>, vector<48x128xf32>
    %sqrt3A = math.sqrt %get3A_1 : vector<48x128xf32>
    %reduce_sum3A = vector.shape_cast %sqrt3A : vector<48x128xf32> to vector<1x48x128xf32>
    %reduce_sum3A_2 = arith.constant dense<0.000000e+00> : vector<1xf32>
    %reduce_sum3A_3 = vector.multi_reduction <add>, %reduce_sum3A, %reduce_sum3A_2 [1, 2] : vector<1x48x128xf32> to vector<1xf32>
    %reduce_sum3A_4 = vector.shape_cast %reduce_sum3A_3 : vector<1xf32> to vector<1x1x1xf32>
    %reduce_sum3A_5 = vector.extract %reduce_sum3A_4[0, 0, 0] : f32 from vector<1x1x1xf32>
    %reshape3A = vector.broadcast %reduce_sum3A_5 : f32 to vector<1x1xf32>
    %swap3A = arith.constant 0 : index
    %swap3A_6 = arith.constant 0 : index
    %swap3A_7 = vector.load %arg1[%swap3A, %swap3A_6] : memref<1x1xf32, #tpu.memory_space<vmem>>, vector<1x1xf32>
    tpu.vector_store %arg1[%swap3A, %swap3A_6], %reshape3A {strides = array<i32>} : memref<1x1xf32, #tpu.memory_space<vmem>>, vector<1x1xf32>,
    return
  }
}

</mosaic_0001>

<sc_bundles>
// kernel: kernel.11.cloned.1.call-start
scs
__scs_entry_jumppad:
0x0: {  	(pc) =	sbr.rel $0x88, $3  }
0x1: {  	(tag) =	ssettag $0x0;
	lr =	simm.s32 $0x1  }
0x2: {  	[smem:$0x3F9D] =	sst lr;
	_ =	strace $0xD0000000  }
0x3: {  	_ = 	snop  }
0x4: {  	_ = 	snop  }
0x5: {  	_ = 	snop  }
0x6: {  	_ = 	snop  }
0x7: {  	_ = 	snop  }
__scs_overlays_trampoline_lowered:
0x8: {  	[smem:$0x3FAC] =	sst s0  }
0x9: {  	[smem:$0x3FAD] =	sst s1  }
0xa: {  	[smem:$0x3FAE] =	sst s2  }
0xb: {  	[smem:$0x3FAF] =	sst s3  }
0xc: {  	[smem:$0x3FB0] =	sst s4  }
0xd: {  	[smem:$0x3FB1] =	sst s5  }
0xe: {  	[smem:$0x3FB2] =	sst s6  }
0xf: {  	[smem:$0x3FB3] =	sst s7  }
0x10: {  	[smem:$0x3FB4] =	sst s8  }
0x11: {  	[smem:$0x3FB5] =	sst s9;
	s0 =	simm.s32 @!p0 $0x0  }
0x12: {  	s1 =	sld [smem:$0x3F9B];
	s0 =	simm.s32 @p0 $0x1  }
0x13: {  	[smem:$0x3FB6] =	sst s0;
	s0 =	simm.s32 @!p1 $0x0  }
0x14: {  	s2 =	sld [smem:$0x3F9A];
	s0 =	simm.s32 @p1 $0x1  }
0x15: {  	[smem:$0x3FB7] =	sst s0;
	s0 =	simm.s32 @!p2 $0x0  }
0x16: {  	s3 =	sld [smem:$0x3FDB];
	s0 =	simm.s32 @p2 $0x1  }
0x17: {  	s4 =	simm.s32 $0x1BF5;
	[smem:$0x3FB9] =	sst s0  }
0x18: {  	s0 =	sld [smem:$0x3F9C];
	_ =	swait.ge [sflag:s4], $0x0  }
0x19: {  	s7 =	sld [smem:$0x3F9D]  }
0x1a: {  	s8 =	sadd.s32 $0xFFFFE003, lr  }
0x1b: {  	s9 =	sadd.s32 $0xFFFFFEF7, lr;
	s5 =	simm.s32 $0xFFFFFFFF;
	p2 =	slt.u32 s8, $0xFFFFF086  }
0x1c: {  	p1 =	slt.u32 s9, $0xF7A;
	s5 =	simm.s32 @!p2 $0x0  }
0x1d: {  	s5 =	simm.s32 @p1 $0x1;
	p0 =	seq.s32 s7, s2  }
0x1e: {  	s7 =	smul.u32 @!p0 $0xF7A, s2;
	p2 =	seq.s32 @!p0 s5, $0x0  }
0x1f: {  	s9 =	smul.u32 $0xF7A, s1;
	s8 =	simm.s32 @!p0 $0x1BF5;
	p2 =	por !p2, p0  }
0x20: {  	[sflag:s8] =	ssyncset.s32 @!p0 $0xFFFFF086;
	s6 =	sadd.s32 @!p0 s3, s7;
	s7 =	simm.s32 @!p0 $0x108  }
0x21: {  	s3 =	sadd.s32 s3, s9;
	s6 =	sadd.s32 @!p0 $0x88, s6;
	s7 =	simm.s32 @p2 $0x1082  }
0x22: {  	[simem:s7], [sflag:s8] =	dma.local @!p0 [hbm:s6], $0xF7A  }
0x23: {  	s9 =	sor.u32 $0xD0000000, s2;
	s6 =	simm.s32 $0x108;
	_ =	swait.ge @!p0 [sflag:s8], $0x0  }
0x24: {  	s3 =	sadd.s32 $0x88, s3;
	s6 =	simm.s32 @!p1 $0x1082;
	[sflag:s4] =	ssyncset.s32 $0xFFFFF086  }
0x25: {  	[simem:s6], [sflag:s4] =	dma.local [hbm:s3], $0xF7A  }
0x26: {  	[smem:$0x3F9D] =	sst s1;
	(tag) =	ssettag s2;
	_ =	strace s9  }
0x27: {  	s1 =	sld [smem:$0x3FAD]  }
0x28: {  	s2 =	sld [smem:$0x3FAE]  }
0x29: {  	s4 =	sld [smem:$0x3FB0]  }
0x2a: {  	p0 =	seq.s32 s5, $0x0;
	s5 =	sld [smem:$0x3FB1]  }
0x2b: {  	s6 =	sld [smem:$0x3FB2]  }
0x2c: {  	s7 =	sld [smem:$0x3FB3]  }
0x2d: {  	s3 =	simm.s32 $0x108;
	s8 =	sld [smem:$0x3FB4]  }
0x2e: {  	s3 =	simm.s32 @!p0 $0x1082;
	s9 =	sld [smem:$0x3FB5]  }
0x2f: {  	lr =	sadd.s32 s0, s3;
	s0 =	sld [smem:$0x3FAC]  }
0x30: {  	s3 =	sld [smem:$0x3FAF]  }
0x31: {  	[smem:$0x3FB8] =	sst s10  }
0x32: {  	s10 =	sld [smem:$0x3FB6];
	_ =	sdelay $0x3  }
0x33: {  	p0 =	seq.s32 s10, $0x1;
	s10 =	sld [smem:$0x3FB8];
	_ =	sdelay $0x3  }
0x34: {  	[smem:$0x3FB8] =	sst s10  }
0x35: {  	s10 =	sld [smem:$0x3FB7];
	_ =	sdelay $0x3  }
0x36: {  	p1 =	seq.s32 s10, $0x1;
	s10 =	sld [smem:$0x3FB8];
	_ =	sdelay $0x3  }
0x37: {  	[smem:$0x3FB8] =	sst s10  }
0x38: {  	s10 =	sld [smem:$0x3FB9]  }
0x39: {  	_ = 	snop;
	(pc) =	sbr.ind lr, $3  }
0x3a: {  	_ = 	snop  }
0x3b: {  	_ = 	snop  }
0x3c: {  	p2 =	seq.s32 s10, $0x1;
	s10 =	sld [smem:$0x3FB8]  }
0x3d: {  	_ =	shalt  }
0x3e: {  	_ =	shalt  }
0x3f: {  	_ =	shalt  }
0x40: {  	_ =	shalt  }
0x41: {  	_ =	shalt  }
0x42: {  	_ =	shalt  }
0x43: {  	_ =	shalt  }
0x44: {  	_ =	shalt  }
0x45: {  	_ =	shalt  }
0x46: {  	_ =	shalt  }
0x47: {  	_ =	shalt  }
0x48: {  	_ =	shalt  }
0x49: {  	_ =	shalt  }
0x4a: {  	_ =	shalt  }
0x4b: {  	_ =	shalt  }
0x4c: {  	_ =	shalt  }
0x4d: {  	_ =	shalt  }
0x4e: {  	_ =	shalt  }
0x4f: {  	_ =	shalt  }
0x50: {  	_ =	shalt  }
0x51: {  	_ =	shalt  }
0x52: {  	_ =	shalt  }
0x53: {  	_ =	shalt  }
0x54: {  	_ =	shalt  }
0x55: {  	_ =	shalt  }
0x56: {  	_ =	shalt  }
0x57: {  	_ =	shalt  }
0x58: {  	_ =	shalt  }
0x59: {  	_ =	shalt  }
0x5a: {  	_ =	shalt  }
0x5b: {  	_ =	shalt  }
0x5c: {  	_ =	shalt  }
0x5d: {  	_ =	shalt  }
0x5e: {  	_ =	shalt  }
0x5f: {  	_ =	shalt  }
0x60: {  	_ =	shalt  }
0x61: {  	_ =	shalt  }
0x62: {  	_ =	shalt  }
0x63: {  	_ =	shalt  }
0x64: {  	_ =	shalt  }
0x65: {  	_ =	shalt  }
0x66: {  	_ =	shalt  }
0x67: {  	_ =	shalt  }
0x68: {  	_ =	shalt  }
0x69: {  	_ =	shalt  }
0x6a: {  	_ =	shalt  }
0x6b: {  	_ =	shalt  }
0x6c: {  	_ =	shalt  }
0x6d: {  	_ =	shalt  }
0x6e: {  	_ =	shalt  }
0x6f: {  	_ =	shalt  }
0x70: {  	_ =	shalt  }
0x71: {  	_ =	shalt  }
0x72: {  	_ =	shalt  }
0x73: {  	_ =	shalt  }
0x74: {  	_ =	shalt  }
0x75: {  	_ =	shalt  }
0x76: {  	_ =	shalt  }
0x77: {  	_ =	shalt  }
0x78: {  	_ =	shalt  }
0x79: {  	_ =	shalt  }
0x7a: {  	_ =	shalt  }
0x7b: {  	_ =	shalt  }
0x7c: {  	_ =	shalt  }
0x7d: {  	_ =	shalt  }
0x7e: {  	_ =	shalt  }
0x7f: {  	_ =	shalt  }
0x80: {  	_ =	shalt  }
0x81: {  	_ =	shalt  }
0x82: {  	_ =	shalt  }
0x83: {  	_ =	shalt  }
0x84: {  	_ =	shalt  }
0x85: {  	_ =	shalt  }
0x86: {  	_ =	shalt  }
0x87: {  	_ =	shalt  }
.Lfunc_end0:
.L_simem_size_0:
called_computation.1_lowered:
.L_overlay_start_0:
0x88: {  	s2 =	sld [smem:$0x3FD9]  }
0x89: {  	s3 =	sld [smem:$0x3FFE];
	_ =	sdelay $0x1  }
0x8a: {  	s1 =	srdreg.scid  }
0x8b: {  	s0 =	sand.u32 $0x1, s1  }
0x8c: {  	s16 =	sshll.u32 s0, $0xA;
	s2 =	sadd.s32 s3, s2  }
0x8d: {  	s2 =	sadd.s32 s2, s16  }
0x8e: {  	[smem:$0x3FC4] =	sst s2  }
0x8f: {  	_ = 	snop  }
0x90: {  	(tm) =	ssettm $0x1  }
0x91: {  	s17 =	sld [smem:$0x3FFB];
	_ =	sdelay $0x3  }
0x92: {  	_ =	strace s17  }
0x93: {  	s2 =	sld [smem:$0x3FFC];
	_ =	sdelay $0x3  }
0x94: {  	_ =	strace s2  }
0x95: {  	s2 =	sld [smem:$0x3FFD];
	_ =	sdelay $0x3  }
0x96: {  	_ =	strace s2  }
0x97: {  	_ =	strace $0x8FFFFFFF  }
0x98: {  	s18 =	sld [smem:$0x3FDB];
	_ =	sdelay $0x1  }
0x99: {  	s19 =	simm.s32 $_scs_section_size  }
0x9a: {  	s4 =	simm.s32 $_size__tile_overlayer_lowered;
	s5 =	simm.s32 $_tile_overlayer_lowered  }
0x9b: {  	s22 =	simm.s32 $0x1BFF;
	s21 =	sshll.u32 s5, $0x1;
	s2 =	sadd.s32 s19, s18  }
0x9c: {  	s6 =	simm.s32 $0x0;
	s20 =	sshll.u32 s4, $0x1;
	s4 =	sadd.s32 s21, s2  }
0x9d: {  	[timem:s6], [sflag:s22] =	dma.local [hbm:s4], s20  }
0x9e: {  	_ =	swait.ge [sflag:s22], s20  }
0x9f: {  	s3 =	ssub.s32 $0x0, s20;
	[sflag:s22] =	ssyncset.done $0x0  }
0xa0: {  	[sflag:s22] =	ssyncadd.s32 s3;
	_ =	sdelay $0x1  }
0xa1: {  	s23 =	simm.s32 $0x1B8B  }
0xa2: {  	_ =	swait.ge [sflag:s23], $0x1  }
0xa3: {  	[sflag:s23] =	ssyncset.done $0x0  }
0xa4: {  	s25 =	simm.s32 $0x1B8E;
	s24 =	sld [smem:$0x3FFE];
	[sflag:s23] =	ssyncadd.s32 $0xFFFFFFFF  }
0xa5: {  	s26 =	simm.s32 $execute0_lowered;
	[smem:$0x3FD2] =	sst s25  }
0xa6: {  	s4 =	sshll.u32 s26, $0x1;
	_ =	strace $0x80000046;
	[dreg:$0x1] =	wrdreg $0xFFFFFFFF  }
0xa7: {  	s28 =	simm.s32 $_size_execute0_lowered;
	s2 =	sadd.s32 s2, s4;
	[dreg:$0x0] =	wrdreg $0x0  }
0xa8: {  	s4 =	sshll.u32 s28, $0x1;
	[dreg:$0x2] =	wrdreg s2  }
0xa9: {  	[dreg:$0x3] =	wrdreg s4  }
0xaa: {  	[dreg:$0x4] =	wrdreg $0xC0  }
0xab: {  	_ =	task [dreg:s6], $0x5FFFF  }
0xac: {  	[dreg:$0x1] =	wrdreg $0xFFFFFFFF  }
0xad: {  	[dreg:$0x0] =	wrdreg $0x60  }
0xae: {  	[dreg:$0x2] =	wrdreg s24  }
0xaf: {  	[dreg:$0x3] =	wrdreg $0xA  }
0xb0: {  	_ =	task.clear_ibuf [dreg:s6], $0x4FFFF;
	_ =	strace $0x90000046  }
0xb1: {  	s29 =	simm.s32 $0xA;
	_ =	strace $0x80000048  }
0xb2: {  	_ =	swait.ge [sflag:s29], $0x1  }
0xb3: {  	[sflag:s29] =	ssyncadd.s32 $0xFFFFFFFF  }
0xb4: {  	_ =	strace $0x90000048  }
0xb5: {  	_ =	sfence  }
0xb6: {  	s30 =	sld [smem:$0x0];
	_ =	sdelay $0x2  }
0xb7: {  	s31 =	sshll.u32 s1, $0xD;
	s1 =	sshrl.u32 s1, $0x2  }
0xb8: {  	s3 =	sand.u32 $0x4000, s31;
	s1 =	sadd.s32 s1, s30  }
0xb9: {  	s0 =	sor.u32 s3, s0;
	s1 =	sshll.u32 s1, $0x11  }
0xba: {  	s0 =	sor.u32 s1, s0  }
0xbb: {  	s0 =	sadd.s32 $0x8F2B, s0  }
0xbc: {  	[sflag:s0] =	ssyncadd.remote.s32 $0x1  }
0xbd: {  	_ =	sfence.sel $0xFFFF  }
0xbe: {  	[dreg:$0x0] =	wrdreg $0xFFFFFFFF;
	(pc) =	sbr.abs _section_cstart, $3  }
0xbf: {  	[dreg:$0x1] =	wrdreg $0xFFFFFFFF  }
0xc0: {  	_ =	task.clear_ibuf [dreg:s6], $0x2FFFF;
	_ =	strace $0x9FFFFFFF  }
0xc1: {  	(tm) =	ssettm $0x7FFFFFFF  }
tec
execute0_lowered:
.L_overlay_start_1:
0x0: {  	(tag) =	ssettag $0x1  }
0x1: {  	s7 =	rddreg [dreg:$0x0]  }
0x2: {  	s0 =	rddreg [dreg:$0x1]  }
0x3: {  	s3 =	srdreg.scid;
	s1 =	stileid.u32  }
0x4: {  	s2 =	simm.s32 $0x0;
	s17 =	sand.u32 $0x1, s3;
	s31 =	sshll.u32 s1, $0x1  }
0x5: {  	[smem:$0x7FF] =	sst s2;
	s4 =	sor.u32 s17, s31  }
0x6: {  	s3 =	sadd.s32 $0x1C00, s7;
	_ =	strace $0x80000047;
	s5 =	smul.u32 $0xC0, s4  }
0x7: {  	[tilespmem:s2], [sflag:$0x1] =	stream.linear.gather [hbm4b:s3+s2], $0x2000, $0x38;
	[tilespmem:$0x6500] =	vst v63  }
0x8: {  	s4 =	sadd.s32 $0x1800, s7;
	s8 =	sshrl.u32 s5, $0x3;
	s5 =	simm.s32 $0x2000  }
0x9: {  	[tilespmem:s5], [sflag:$0x1] =	stream.linear.gather [hbm4b:s4+s2], $0x2000, $0x38;
	[tilespmem:$0x6500] =	vst v63  }
0xa: {  	s6 =	sadd.s32 $0x1400, s7;
	s18 =	sadd.s32 s8, s7;
	s7 =	simm.s32 $0x4000  }
0xb: {  	[tilespmem:s7], [sflag:$0x1] =	stream.linear.gather [hbm4b:s6+s2], $0x2000, $0x38;
	[tilespmem:$0x6500] =	vst v63  }
0xc: {  	s9 =	simm.s32 $0x6000;
	s8 =	sadd.s32 $0x2900, s18  }
0xd: {  	[tilespmem:s9], [sflag:$0x1] =	stream.linear.gather [hbm4b:s8+s2], $0xC0, $0x38;
	[tilespmem:$0x6500] =	vst v63  }
0xe: {  	s11 =	simm.s32 $0x6100;
	s10 =	sadd.s32 $0x2500, s18  }
0xf: {  	[tilespmem:s11], [sflag:$0x1] =	stream.linear.gather [hbm4b:s10+s2], $0xC0, $0x38;
	[tilespmem:$0x6500] =	vst v63  }
0x10: {  	s13 =	simm.s32 $0x6200;
	s12 =	sadd.s32 $0x2100, s18  }
0x11: {  	[tilespmem:s13], [sflag:$0x1] =	stream.linear.gather [hbm4b:s12+s2], $0xC0, $0x38;
	[tilespmem:$0x6500] =	vst v63  }
0x12: {  	s15 =	simm.s32 $0x6300;
	s16 =	simm.s32 $0x1;
	s14 =	sadd.s32 $0x4C00, s18  }
0x13: {  	[tilespmem:s15], [sflag:$0x1] =	stream.linear.gather [hbm4b:s14+s2], $0xC0, $0x38;
	[tilespmem:$0x6500] =	vst v63  }
0x14: {  	_ =	swait.ge [sflag:s16], $0x2000  }
0x15: {  	[sflag:s16] =	ssyncset.done $0x0  }
0x16: {  	[sflag:s16] =	ssyncadd.s32 $0xFFFFE000  }
0x17: {  	_ =	swait.ge [sflag:s16], $0x2000  }
0x18: {  	[sflag:s16] =	ssyncset.done $0x0  }
0x19: {  	[sflag:s16] =	ssyncadd.s32 $0xFFFFE000  }
0x1a: {  	_ =	swait.ge [sflag:s16], $0x2000  }
0x1b: {  	[sflag:s16] =	ssyncset.done $0x0  }
0x1c: {  	[sflag:s16] =	ssyncadd.s32 $0xFFFFE000  }
0x1d: {  	_ =	swait.ge [sflag:s16], $0xC0  }
0x1e: {  	[sflag:s16] =	ssyncset.done $0x0  }
0x1f: {  	[sflag:s16] =	ssyncadd.s32 $0xFFFFFF40  }
0x20: {  	_ =	swait.ge [sflag:s16], $0xC0  }
0x21: {  	[sflag:s16] =	ssyncset.done $0x0  }
0x22: {  	[sflag:s16] =	ssyncadd.s32 $0xFFFFFF40  }
0x23: {  	_ =	swait.ge [sflag:s16], $0xC0  }
0x24: {  	[sflag:s16] =	ssyncset.done $0x0  }
0x25: {  	[sflag:s16] =	ssyncadd.s32 $0xFFFFFF40  }
0x26: {  	_ =	swait.ge [sflag:s16], $0xC0  }
0x27: {  	[sflag:s16] =	ssyncset.done $0x0  }
0x28: {  	[sflag:s16] =	ssyncadd.s32 $0xFFFFFF40  }
0x29: {  	v0 =	vld [tilespmem:$0x6300];
	_ =	sdelay $0x5  }
0x2a: {  	v1 =	vld [tilespmem:$0x6000]  }
0x2b: {  	v4 =	vld [tilespmem:$0x6100]  }
0x2c: {  	v2 =	vld.idx.msk [tilespmem:v0+s2+$0x0], $0xffff  }
0x2d: {  	v3 =	vld.idx.msk [tilespmem:v0+s5+$0x0], $0xffff  }
0x2e: {  	v5 =	vld [tilespmem:$0x6200]  }
0x2f: {  	v0 =	vld.idx.msk [tilespmem:v0+s7+$0x0], $0xffff;
	_ =	sdelay $0x2  }
0x30: {  	v1 =	vsub.f32 v2, v1;
	v2 =	vsub.f32 v3, v4  }
0x31: {  	v3 =	vld [tilespmem:$0x6310]  }
0x32: {  	v0 =	vsub.f32 v0, v5;
	v1 =	vmul.f32 v1, v1;
	v2 =	vmul.f32 v2, v2;
	_ =	sdelay $0x1  }
0x33: {  	v0 =	vmul.f32 v0, v0;
	v1 =	vadd.f32 v2, v1;
	_ =	sdelay $0x1  }
0x34: {  	v0 =	vadd.f32 v0, v1  }
0x35: {  	v4 =	vld [tilespmem:$0x6110]  }
0x36: {  	[tilespmem:$0x6400] =	vst v0;
	v0 =	vld [tilespmem:$0x6010]  }
0x37: {  	v1 =	vld.idx.msk [tilespmem:v3+s2+$0x0], $0xffff  }
0x38: {  	v2 =	vld.idx.msk [tilespmem:v3+s5+$0x0], $0xffff  }
0x39: {  	v5 =	vld [tilespmem:$0x6210]  }
0x3a: {  	v3 =	vld.idx.msk [tilespmem:v3+s7+$0x0], $0xffff;
	_ =	sdelay $0x2  }
0x3b: {  	v0 =	vsub.f32 v1, v0;
	v1 =	vsub.f32 v2, v4  }
0x3c: {  	v2 =	vld [tilespmem:$0x6320]  }
0x3d: {  	v3 =	vsub.f32 v3, v5;
	v0 =	vmul.f32 v0, v0;
	v1 =	vmul.f32 v1, v1;
	_ =	sdelay $0x1  }
0x3e: {  	v0 =	vadd.f32 v1, v0;
	v1 =	vmul.f32 v3, v3;
	_ =	sdelay $0x1  }
0x3f: {  	v0 =	vadd.f32 v1, v0  }
0x40: {  	v1 =	vld [tilespmem:$0x6020]  }
0x41: {  	[tilespmem:$0x6410] =	vst v0;
	v0 =	vld [tilespmem:$0x6120]  }
0x42: {  	v3 =	vld.idx.msk [tilespmem:v2+s5+$0x0], $0xffff  }
0x43: {  	v4 =	vld.idx.msk [tilespmem:v2+s2+$0x0], $0xffff  }
0x44: {  	v5 =	vld [tilespmem:$0x6220]  }
0x45: {  	v2 =	vld.idx.msk [tilespmem:v2+s7+$0x0], $0xffff;
	_ =	sdelay $0x2  }
0x46: {  	v0 =	vsub.f32 v3, v0;
	v1 =	vsub.f32 v4, v1  }
0x47: {  	v3 =	vld [tilespmem:$0x6330]  }
0x48: {  	v2 =	vsub.f32 v2, v5;
	v1 =	vmul.f32 v1, v1;
	v0 =	vmul.f32 v0, v0;
	_ =	sdelay $0x1  }
0x49: {  	v0 =	vadd.f32 v0, v1;
	v1 =	vmul.f32 v2, v2;
	_ =	sdelay $0x1  }
0x4a: {  	v0 =	vadd.f32 v1, v0  }
0x4b: {  	v1 =	vld [tilespmem:$0x6030]  }
0x4c: {  	[tilespmem:$0x6420] =	vst v0;
	v0 =	vld [tilespmem:$0x6130]  }
0x4d: {  	v2 =	vld.idx.msk [tilespmem:v3+s5+$0x0], $0xffff  }
0x4e: {  	v4 =	vld.idx.msk [tilespmem:v3+s2+$0x0], $0xffff  }
0x4f: {  	v5 =	vld [tilespmem:$0x6230]  }
0x50: {  	v3 =	vld.idx.msk [tilespmem:v3+s7+$0x0], $0xffff;
	_ =	sdelay $0x2  }
0x51: {  	v0 =	vsub.f32 v2, v0;
	v1 =	vsub.f32 v4, v1  }
0x52: {  	v2 =	vld [tilespmem:$0x6340]  }
0x53: {  	v3 =	vsub.f32 v3, v5;
	v1 =	vmul.f32 v1, v1;
	v0 =	vmul.f32 v0, v0;
	_ =	sdelay $0x1  }
0x54: {  	v0 =	vadd.f32 v0, v1;
	v1 =	vmul.f32 v3, v3;
	_ =	sdelay $0x1  }
0x55: {  	v0 =	vadd.f32 v1, v0  }
0x56: {  	v1 =	vld [tilespmem:$0x6040]  }
0x57: {  	[tilespmem:$0x6430] =	vst v0;
	v0 =	vld [tilespmem:$0x6140]  }
0x58: {  	v3 =	vld.idx.msk [tilespmem:v2+s5+$0x0], $0xffff  }
0x59: {  	v4 =	vld.idx.msk [tilespmem:v2+s2+$0x0], $0xffff  }
0x5a: {  	v5 =	vld [tilespmem:$0x6240]  }
0x5b: {  	v2 =	vld.idx.msk [tilespmem:v2+s7+$0x0], $0xffff;
	_ =	sdelay $0x2  }
0x5c: {  	v0 =	vsub.f32 v3, v0;
	v1 =	vsub.f32 v4, v1  }
0x5d: {  	v3 =	vld [tilespmem:$0x6350]  }
0x5e: {  	v2 =	vsub.f32 v2, v5;
	v1 =	vmul.f32 v1, v1;
	v0 =	vmul.f32 v0, v0;
	_ =	sdelay $0x1  }
0x5f: {  	v0 =	vadd.f32 v0, v1;
	v1 =	vmul.f32 v2, v2;
	_ =	sdelay $0x1  }
0x60: {  	v0 =	vadd.f32 v1, v0  }
0x61: {  	v4 =	vld [tilespmem:$0x6150]  }
0x62: {  	[tilespmem:$0x6440] =	vst v0;
	v0 =	vld [tilespmem:$0x6050]  }
0x63: {  	v1 =	vld.idx.msk [tilespmem:v3+s2+$0x0], $0xffff  }
0x64: {  	v2 =	vld.idx.msk [tilespmem:v3+s5+$0x0], $0xffff  }
0x65: {  	v5 =	vld [tilespmem:$0x6250]  }
0x66: {  	v3 =	vld.idx.msk [tilespmem:v3+s7+$0x0], $0xffff;
	_ =	sdelay $0x2  }
0x67: {  	v0 =	vsub.f32 v1, v0;
	v1 =	vsub.f32 v2, v4  }
0x68: {  	v2 =	vld [tilespmem:$0x6360]  }
0x69: {  	v3 =	vsub.f32 v3, v5;
	v0 =	vmul.f32 v0, v0;
	v1 =	vmul.f32 v1, v1;
	_ =	sdelay $0x1  }
0x6a: {  	v0 =	vadd.f32 v1, v0;
	v1 =	vmul.f32 v3, v3;
	_ =	sdelay $0x1  }
0x6b: {  	v0 =	vadd.f32 v1, v0  }
0x6c: {  	v1 =	vld [tilespmem:$0x6160]  }
0x6d: {  	[tilespmem:$0x6450] =	vst v0;
	v0 =	vld [tilespmem:$0x6060]  }
0x6e: {  	v3 =	vld.idx.msk [tilespmem:v2+s2+$0x0], $0xffff  }
0x6f: {  	v4 =	vld.idx.msk [tilespmem:v2+s5+$0x0], $0xffff  }
0x70: {  	v5 =	vld [tilespmem:$0x6260]  }
0x71: {  	v2 =	vld.idx.msk [tilespmem:v2+s7+$0x0], $0xffff;
	_ =	sdelay $0x2  }
0x72: {  	v0 =	vsub.f32 v3, v0;
	v1 =	vsub.f32 v4, v1  }
0x73: {  	v3 =	vld [tilespmem:$0x6370]  }
0x74: {  	v2 =	vsub.f32 v2, v5;
	v0 =	vmul.f32 v0, v0;
	v1 =	vmul.f32 v1, v1;
	_ =	sdelay $0x1  }
0x75: {  	v0 =	vadd.f32 v1, v0;
	v1 =	vmul.f32 v2, v2;
	_ =	sdelay $0x1  }
0x76: {  	v0 =	vadd.f32 v1, v0  }
0x77: {  	v1 =	vld [tilespmem:$0x6170]  }
0x78: {  	[tilespmem:$0x6460] =	vst v0;
	v0 =	vld [tilespmem:$0x6070]  }
0x79: {  	v2 =	vld.idx.msk [tilespmem:v3+s2+$0x0], $0xffff  }
0x7a: {  	v4 =	vld.idx.msk [tilespmem:v3+s5+$0x0], $0xffff  }
0x7b: {  	v5 =	vld [tilespmem:$0x6270]  }
0x7c: {  	v3 =	vld.idx.msk [tilespmem:v3+s7+$0x0], $0xffff;
	_ =	sdelay $0x2  }
0x7d: {  	v0 =	vsub.f32 v2, v0;
	v1 =	vsub.f32 v4, v1  }
0x7e: {  	v2 =	vld [tilespmem:$0x6380]  }
0x7f: {  	v3 =	vsub.f32 v3, v5;
	v0 =	vmul.f32 v0, v0;
	v1 =	vmul.f32 v1, v1;
	_ =	sdelay $0x1  }
0x80: {  	v0 =	vadd.f32 v1, v0;
	v1 =	vmul.f32 v3, v3;
	_ =	sdelay $0x1  }
0x81: {  	v0 =	vadd.f32 v1, v0  }
0x82: {  	v1 =	vld [tilespmem:$0x6180]  }
0x83: {  	[tilespmem:$0x6470] =	vst v0;
	v0 =	vld [tilespmem:$0x6080]  }
0x84: {  	v3 =	vld.idx.msk [tilespmem:v2+s2+$0x0], $0xffff  }
0x85: {  	v4 =	vld.idx.msk [tilespmem:v2+s5+$0x0], $0xffff  }
0x86: {  	v5 =	vld [tilespmem:$0x6280]  }
0x87: {  	v2 =	vld.idx.msk [tilespmem:v2+s7+$0x0], $0xffff;
	_ =	sdelay $0x2  }
0x88: {  	v0 =	vsub.f32 v3, v0;
	v1 =	vsub.f32 v4, v1  }
0x89: {  	v3 =	vld [tilespmem:$0x6390]  }
0x8a: {  	v2 =	vsub.f32 v2, v5;
	v0 =	vmul.f32 v0, v0;
	v1 =	vmul.f32 v1, v1;
	_ =	sdelay $0x1  }
0x8b: {  	v0 =	vadd.f32 v1, v0;
	v1 =	vmul.f32 v2, v2;
	_ =	sdelay $0x1  }
0x8c: {  	v0 =	vadd.f32 v1, v0  }
0x8d: {  	v1 =	vld [tilespmem:$0x6190]  }
0x8e: {  	[tilespmem:$0x6480] =	vst v0;
	v0 =	vld [tilespmem:$0x6090]  }
0x8f: {  	v2 =	vld.idx.msk [tilespmem:v3+s2+$0x0], $0xffff  }
0x90: {  	v4 =	vld.idx.msk [tilespmem:v3+s5+$0x0], $0xffff  }
0x91: {  	v5 =	vld [tilespmem:$0x6290]  }
0x92: {  	v3 =	vld.idx.msk [tilespmem:v3+s7+$0x0], $0xffff;
	_ =	sdelay $0x2  }
0x93: {  	v0 =	vsub.f32 v2, v0;
	v1 =	vsub.f32 v4, v1  }
0x94: {  	v2 =	vld [tilespmem:$0x63A0]  }
0x95: {  	v3 =	vsub.f32 v3, v5;
	v0 =	vmul.f32 v0, v0;
	v1 =	vmul.f32 v1, v1;
	_ =	sdelay $0x1  }
0x96: {  	v0 =	vadd.f32 v1, v0;
	v1 =	vmul.f32 v3, v3;
	_ =	sdelay $0x1  }
0x97: {  	v0 =	vadd.f32 v1, v0  }
0x98: {  	v1 =	vld [tilespmem:$0x61A0]  }
0x99: {  	[tilespmem:$0x6490] =	vst v0;
	v0 =	vld [tilespmem:$0x60A0]  }
0x9a: {  	v3 =	vld.idx.msk [tilespmem:v2+s2+$0x0], $0xffff  }
0x9b: {  	v4 =	vld.idx.msk [tilespmem:v2+s5+$0x0], $0xffff  }
0x9c: {  	v5 =	vld [tilespmem:$0x62A0]  }
0x9d: {  	v2 =	vld.idx.msk [tilespmem:v2+s7+$0x0], $0xffff;
	_ =	sdelay $0x2  }
0x9e: {  	v0 =	vsub.f32 v3, v0;
	v1 =	vsub.f32 v4, v1  }
0x9f: {  	v4 =	vld [tilespmem:$0x63B0]  }
0xa0: {  	s17 =	ssub.s32 $0x2, s17;
	v2 =	vsub.f32 v2, v5;
	v0 =	vmul.f32 v0, v0;
	v1 =	vmul.f32 v1, v1  }
0xa1: {  	s19 =	sshrl.u32 s17, $0x1  }
0xa2: {  	s17 =	ssub.s32 s17, s19;
	v0 =	vadd.f32 v1, v0;
	v1 =	vmul.f32 v2, v2  }
0xa3: {  	s20 =	smax.u32 s17, $0x1  }
0xa4: {  	p0 =	sne.s32 s20, $0x1;
	v5 =	vld [tilespmem:$0x62B0];
	v1 =	vadd.f32 v1, v0  }
.Ltmp0:
0xa5: {  	v0 =	vld [tilespmem:$0x61B0];
	(pc) =	sbr.rel @!p0 .LBB2_2-.Ltmp0, $4  }
0xa6: {  	[tilespmem:$0x64A0] =	vst v1;
	v1 =	vld [tilespmem:$0x60B0]  }
0xa7: {  	v2 =	vld.idx.msk [tilespmem:v4+s2+$0x0], $0xffff  }
0xa8: {  	s19 =	simm.s32 $0x6400;
	v3 =	vld.idx.msk [tilespmem:v4+s5+$0x0], $0xffff  }
0xa9: {  	s20 =	sadd.s32 $0xFFFFFFFF, s20;
	s17 =	sadd.s32 $0x5000, s18;
	s18 =	simm.s32 $0x2;
	v4 =	vld.idx.msk [tilespmem:v4+s7+$0x0], $0xffff  }
.LBB2_1:
0xaa: {  	_ =	sdelay $0x1  }
0xab: {  	p0 =	sne.s32 s20, $0x1;
	s20 =	sadd.s32 $0xFFFFFFFF, s20;
	v1 =	vsub.f32 v2, v1  }
0xac: {  	v0 =	vsub.f32 v3, v0  }
0xad: {  	v1 =	vmul.f32 v1, v1;
	v2 =	vsub.f32 v4, v5  }
0xae: {  	v0 =	vmul.f32 v0, v0  }
0xaf: {  	v2 =	vmul.f32 v2, v2  }
0xb0: {  	v0 =	vadd.f32 v0, v1;
	_ =	sdelay $0x1  }
0xb1: {  	v0 =	vadd.f32 v2, v0;
	_ =	sdelay $0x1  }
0xb2: {  	[tilespmem:$0x64B0] =	vst v0  }
0xb3: {  	[hbm4b:s17+s2] =	stream.linear.scatter [tilespmem:s19], [sflag:$0x2], $0xC0, $0x38;
	[tilespmem:$0x6500] =	vst v63  }
0xb4: {  	_ =	swait.ge [sflag:s18], $0xC0  }
0xb5: {  	[sflag:s18] =	ssyncset.done $0x0  }
0xb6: {  	[sflag:s18] =	ssyncadd.s32 $0xFFFFFF40  }
0xb7: {  	[tilespmem:s2], [sflag:$0x1] =	stream.linear.gather [hbm4b:s3+s2], $0x2000, $0x38;
	[tilespmem:$0x6500] =	vst v63  }
0xb8: {  	_ = 	snop  }
0xb9: {  	[tilespmem:s5], [sflag:$0x1] =	stream.linear.gather [hbm4b:s4+s2], $0x2000, $0x38;
	[tilespmem:$0x6500] =	vst v63  }
0xba: {  	_ = 	snop  }
0xbb: {  	[tilespmem:s7], [sflag:$0x1] =	stream.linear.gather [hbm4b:s6+s2], $0x2000, $0x38;
	[tilespmem:$0x6500] =	vst v63  }
0xbc: {  	_ = 	snop  }
0xbd: {  	[tilespmem:s9], [sflag:$0x1] =	stream.linear.gather [hbm4b:s8+s2], $0xC0, $0x38;
	[tilespmem:$0x6500] =	vst v63  }
0xbe: {  	_ = 	snop  }
0xbf: {  	[tilespmem:s11], [sflag:$0x1] =	stream.linear.gather [hbm4b:s10+s2], $0xC0, $0x38;
	[tilespmem:$0x6500] =	vst v63  }
0xc0: {  	_ = 	snop  }
0xc1: {  	[tilespmem:s13], [sflag:$0x1] =	stream.linear.gather [hbm4b:s12+s2], $0xC0, $0x38;
	[tilespmem:$0x6500] =	vst v63  }
0xc2: {  	_ = 	snop  }
0xc3: {  	[tilespmem:s15], [sflag:$0x1] =	stream.linear.gather [hbm4b:s14+s2], $0xC0, $0x38;
	[tilespmem:$0x6500] =	vst v63  }
0xc4: {  	_ =	swait.ge [sflag:s16], $0x2000  }
0xc5: {  	[sflag:s16] =	ssyncset.done $0x0  }
0xc6: {  	[sflag:s16] =	ssyncadd.s32 $0xFFFFE000  }
0xc7: {  	_ =	swait.ge [sflag:s16], $0x2000  }
0xc8: {  	[sflag:s16] =	ssyncset.done $0x0  }
0xc9: {  	[sflag:s16] =	ssyncadd.s32 $0xFFFFE000  }
0xca: {  	_ =	swait.ge [sflag:s16], $0x2000  }
0xcb: {  	[sflag:s16] =	ssyncset.done $0x0  }
0xcc: {  	[sflag:s16] =	ssyncadd.s32 $0xFFFFE000  }
0xcd: {  	_ =	swait.ge [sflag:s16], $0xC0  }
0xce: {  	[sflag:s16] =	ssyncset.done $0x0  }
0xcf: {  	[sflag:s16] =	ssyncadd.s32 $0xFFFFFF40  }
0xd0: {  	_ =	swait.ge [sflag:s16], $0xC0  }
0xd1: {  	[sflag:s16] =	ssyncset.done $0x0  }
0xd2: {  	[sflag:s16] =	ssyncadd.s32 $0xFFFFFF40  }
0xd3: {  	_ =	swait.ge [sflag:s16], $0xC0  }
0xd4: {  	[sflag:s16] =	ssyncset.done $0x0  }
0xd5: {  	[sflag:s16] =	ssyncadd.s32 $0xFFFFFF40  }
0xd6: {  	_ =	swait.ge [sflag:s16], $0xC0  }
0xd7: {  	[sflag:s16] =	ssyncset.done $0x0  }
0xd8: {  	[sflag:s16] =	ssyncadd.s32 $0xFFFFFF40  }
0xd9: {  	v0 =	vld [tilespmem:$0x6300];
	_ =	sdelay $0x6  }
0xda: {  	v1 =	vld [tilespmem:$0x6000]  }
0xdb: {  	v2 =	vld.idx.msk [tilespmem:v0+s2+$0x0], $0xffff  }
0xdc: {  	v3 =	vld.idx.msk [tilespmem:v0+s5+$0x0], $0xffff  }
0xdd: {  	v4 =	vld [tilespmem:$0x6100]  }
0xde: {  	v0 =	vld.idx.msk [tilespmem:v0+s7+$0x0], $0xffff  }
0xdf: {  	v5 =	vld [tilespmem:$0x6200];
	_ =	sdelay $0x1  }
0xe0: {  	v1 =	vsub.f32 v2, v1  }
0xe1: {  	v2 =	vsub.f32 v3, v4  }
0xe2: {  	v3 =	vld [tilespmem:$0x6310]  }
0xe3: {  	v1 =	vmul.f32 v1, v1;
	v0 =	vsub.f32 v0, v5;
	v2 =	vmul.f32 v2, v2;
	_ =	sdelay $0x1  }
0xe4: {  	v1 =	vadd.f32 v2, v1;
	v0 =	vmul.f32 v0, v0;
	_ =	sdelay $0x1  }
0xe5: {  	v0 =	vadd.f32 v0, v1;
	_ =	sdelay $0x1  }
0xe6: {  	[tilespmem:$0x6400] =	vst v0;
	v0 =	vld [tilespmem:$0x6010]  }
0xe7: {  	v1 =	vld.idx.msk [tilespmem:v3+s2+$0x0], $0xffff  }
0xe8: {  	v2 =	vld.idx.msk [tilespmem:v3+s5+$0x0], $0xffff  }
0xe9: {  	v4 =	vld [tilespmem:$0x6110]  }
0xea: {  	v3 =	vld.idx.msk [tilespmem:v3+s7+$0x0], $0xffff  }
0xeb: {  	v5 =	vld [tilespmem:$0x6210];
	_ =	sdelay $0x1  }
0xec: {  	v0 =	vsub.f32 v1, v0  }
0xed: {  	v1 =	vsub.f32 v2, v4  }
0xee: {  	v2 =	vld [tilespmem:$0x6320]  }
0xef: {  	v0 =	vmul.f32 v0, v0;
	v3 =	vsub.f32 v3, v5;
	v1 =	vmul.f32 v1, v1;
	_ =	sdelay $0x1  }
0xf0: {  	v0 =	vadd.f32 v1, v0;
	v1 =	vmul.f32 v3, v3;
	_ =	sdelay $0x1  }
0xf1: {  	v0 =	vadd.f32 v1, v0  }
0xf2: {  	v1 =	vld [tilespmem:$0x6020]  }
0xf3: {  	[tilespmem:$0x6410] =	vst v0;
	v0 =	vld [tilespmem:$0x6120]  }
0xf4: {  	v3 =	vld.idx.msk [tilespmem:v2+s5+$0x0], $0xffff  }
0xf5: {  	v4 =	vld.idx.msk [tilespmem:v2+s2+$0x0], $0xffff  }
0xf6: {  	v2 =	vld.idx.msk [tilespmem:v2+s7+$0x0], $0xffff  }
0xf7: {  	v5 =	vld [tilespmem:$0x6220];
	_ =	sdelay $0x2  }
0xf8: {  	v0 =	vsub.f32 v3, v0  }
0xf9: {  	v1 =	vsub.f32 v4, v1  }
0xfa: {  	v2 =	vsub.f32 v2, v5;
	v3 =	vld [tilespmem:$0x6330]  }
0xfb: {  	v0 =	vmul.f32 v0, v0;
	v1 =	vmul.f32 v1, v1;
	_ =	sdelay $0x1  }
0xfc: {  	v0 =	vadd.f32 v0, v1;
	v1 =	vmul.f32 v2, v2;
	_ =	sdelay $0x1  }
0xfd: {  	v0 =	vadd.f32 v1, v0  }
0xfe: {  	v1 =	vld [tilespmem:$0x6030]  }
0xff: {  	[tilespmem:$0x6420] =	vst v0;
	v0 =	vld [tilespmem:$0x6130]  }
0x100: {  	v2 =	vld.idx.msk [tilespmem:v3+s5+$0x0], $0xffff  }
0x101: {  	v4 =	vld.idx.msk [tilespmem:v3+s2+$0x0], $0xffff  }
0x102: {  	v3 =	vld.idx.msk [tilespmem:v3+s7+$0x0], $0xffff  }
0x103: {  	v5 =	vld [tilespmem:$0x6230];
	_ =	sdelay $0x2  }
0x104: {  	v0 =	vsub.f32 v2, v0  }
0x105: {  	v1 =	vsub.f32 v4, v1  }
0x106: {  	v2 =	vsub.f32 v3, v5;
	v3 =	vld [tilespmem:$0x6340]  }
0x107: {  	v0 =	vmul.f32 v0, v0;
	v1 =	vmul.f32 v1, v1;
	_ =	sdelay $0x1  }
0x108: {  	v0 =	vadd.f32 v0, v1;
	v1 =	vmul.f32 v2, v2;
	_ =	sdelay $0x1  }
0x109: {  	v0 =	vadd.f32 v1, v0  }
0x10a: {  	v1 =	vld [tilespmem:$0x6040]  }
0x10b: {  	[tilespmem:$0x6430] =	vst v0;
	v0 =	vld [tilespmem:$0x6140]  }
0x10c: {  	v2 =	vld.idx.msk [tilespmem:v3+s5+$0x0], $0xffff  }
0x10d: {  	v4 =	vld.idx.msk [tilespmem:v3+s2+$0x0], $0xffff  }
0x10e: {  	v3 =	vld.idx.msk [tilespmem:v3+s7+$0x0], $0xffff  }
0x10f: {  	v5 =	vld [tilespmem:$0x6240];
	_ =	sdelay $0x2  }
0x110: {  	v0 =	vsub.f32 v2, v0  }
0x111: {  	v1 =	vsub.f32 v4, v1  }
0x112: {  	v2 =	vsub.f32 v3, v5;
	v3 =	vld [tilespmem:$0x6350]  }
0x113: {  	v0 =	vmul.f32 v0, v0;
	v1 =	vmul.f32 v1, v1;
	_ =	sdelay $0x1  }
0x114: {  	v0 =	vadd.f32 v0, v1;
	v1 =	vmul.f32 v2, v2;
	_ =	sdelay $0x1  }
0x115: {  	v0 =	vadd.f32 v1, v0;
	_ =	sdelay $0x1  }
0x116: {  	[tilespmem:$0x6440] =	vst v0;
	v0 =	vld [tilespmem:$0x6050]  }
0x117: {  	v1 =	vld.idx.msk [tilespmem:v3+s2+$0x0], $0xffff  }
0x118: {  	v2 =	vld.idx.msk [tilespmem:v3+s5+$0x0], $0xffff  }
0x119: {  	v4 =	vld [tilespmem:$0x6150]  }
0x11a: {  	v3 =	vld.idx.msk [tilespmem:v3+s7+$0x0], $0xffff  }
0x11b: {  	v5 =	vld [tilespmem:$0x6250];
	_ =	sdelay $0x1  }
0x11c: {  	v0 =	vsub.f32 v1, v0  }
0x11d: {  	v1 =	vsub.f32 v2, v4  }
0x11e: {  	v2 =	vld [tilespmem:$0x6360]  }
0x11f: {  	v0 =	vmul.f32 v0, v0;
	v3 =	vsub.f32 v3, v5;
	v1 =	vmul.f32 v1, v1;
	_ =	sdelay $0x1  }
0x120: {  	v0 =	vadd.f32 v1, v0;
	v1 =	vmul.f32 v3, v3;
	_ =	sdelay $0x1  }
0x121: {  	v0 =	vadd.f32 v1, v0  }
0x122: {  	v1 =	vld [tilespmem:$0x6160]  }
0x123: {  	[tilespmem:$0x6450] =	vst v0;
	v0 =	vld [tilespmem:$0x6060]  }
0x124: {  	v3 =	vld.idx.msk [tilespmem:v2+s2+$0x0], $0xffff  }
0x125: {  	v4 =	vld.idx.msk [tilespmem:v2+s5+$0x0], $0xffff  }
0x126: {  	v2 =	vld.idx.msk [tilespmem:v2+s7+$0x0], $0xffff  }
0x127: {  	v5 =	vld [tilespmem:$0x6260];
	_ =	sdelay $0x2  }
0x128: {  	v0 =	vsub.f32 v3, v0  }
0x129: {  	v1 =	vsub.f32 v4, v1  }
0x12a: {  	v0 =	vmul.f32 v0, v0;
	v2 =	vsub.f32 v2, v5;
	v3 =	vld [tilespmem:$0x6370]  }
0x12b: {  	v1 =	vmul.f32 v1, v1;
	_ =	sdelay $0x1  }
0x12c: {  	v0 =	vadd.f32 v1, v0;
	v1 =	vmul.f32 v2, v2;
	_ =	sdelay $0x1  }
0x12d: {  	v0 =	vadd.f32 v1, v0  }
0x12e: {  	v1 =	vld [tilespmem:$0x6170]  }
0x12f: {  	[tilespmem:$0x6460] =	vst v0;
	v0 =	vld [tilespmem:$0x6070]  }
0x130: {  	v2 =	vld.idx.msk [tilespmem:v3+s2+$0x0], $0xffff  }
0x131: {  	v4 =	vld.idx.msk [tilespmem:v3+s5+$0x0], $0xffff  }
0x132: {  	v3 =	vld.idx.msk [tilespmem:v3+s7+$0x0], $0xffff  }
0x133: {  	v5 =	vld [tilespmem:$0x6270];
	_ =	sdelay $0x2  }
0x134: {  	v0 =	vsub.f32 v2, v0  }
0x135: {  	v1 =	vsub.f32 v4, v1  }
0x136: {  	v2 =	vsub.f32 v3, v5;
	v3 =	vld [tilespmem:$0x6380]  }
0x137: {  	v0 =	vmul.f32 v0, v0;
	v1 =	vmul.f32 v1, v1;
	_ =	sdelay $0x1  }
0x138: {  	v0 =	vadd.f32 v1, v0;
	v1 =	vmul.f32 v2, v2;
	_ =	sdelay $0x1  }
0x139: {  	v0 =	vadd.f32 v1, v0  }
0x13a: {  	v1 =	vld [tilespmem:$0x6180]  }
0x13b: {  	[tilespmem:$0x6470] =	vst v0;
	v0 =	vld [tilespmem:$0x6080]  }
0x13c: {  	v2 =	vld.idx.msk [tilespmem:v3+s2+$0x0], $0xffff  }
0x13d: {  	v4 =	vld.idx.msk [tilespmem:v3+s5+$0x0], $0xffff  }
0x13e: {  	v3 =	vld.idx.msk [tilespmem:v3+s7+$0x0], $0xffff  }
0x13f: {  	v5 =	vld [tilespmem:$0x6280];
	_ =	sdelay $0x2  }
0x140: {  	v0 =	vsub.f32 v2, v0  }
0x141: {  	v1 =	vsub.f32 v4, v1  }
0x142: {  	v2 =	vsub.f32 v3, v5;
	v3 =	vld [tilespmem:$0x6390]  }
0x143: {  	v0 =	vmul.f32 v0, v0;
	v1 =	vmul.f32 v1, v1;
	_ =	sdelay $0x1  }
0x144: {  	v0 =	vadd.f32 v1, v0;
	v1 =	vmul.f32 v2, v2;
	_ =	sdelay $0x1  }
0x145: {  	v0 =	vadd.f32 v1, v0  }
0x146: {  	v1 =	vld [tilespmem:$0x6190]  }
0x147: {  	[tilespmem:$0x6480] =	vst v0;
	v0 =	vld [tilespmem:$0x6090]  }
0x148: {  	v2 =	vld.idx.msk [tilespmem:v3+s2+$0x0], $0xffff  }
0x149: {  	v4 =	vld.idx.msk [tilespmem:v3+s5+$0x0], $0xffff  }
0x14a: {  	v3 =	vld.idx.msk [tilespmem:v3+s7+$0x0], $0xffff  }
0x14b: {  	v5 =	vld [tilespmem:$0x6290];
	_ =	sdelay $0x2  }
0x14c: {  	v0 =	vsub.f32 v2, v0  }
0x14d: {  	v1 =	vsub.f32 v4, v1  }
0x14e: {  	v2 =	vsub.f32 v3, v5;
	v3 =	vld [tilespmem:$0x63A0]  }
0x14f: {  	v0 =	vmul.f32 v0, v0;
	v1 =	vmul.f32 v1, v1;
	_ =	sdelay $0x1  }
0x150: {  	v0 =	vadd.f32 v1, v0;
	v1 =	vmul.f32 v2, v2;
	_ =	sdelay $0x1  }
0x151: {  	v0 =	vadd.f32 v1, v0  }
0x152: {  	v1 =	vld [tilespmem:$0x61A0]  }
0x153: {  	[tilespmem:$0x6490] =	vst v0;
	v0 =	vld [tilespmem:$0x60A0]  }
0x154: {  	v2 =	vld.idx.msk [tilespmem:v3+s2+$0x0], $0xffff  }
0x155: {  	v4 =	vld.idx.msk [tilespmem:v3+s5+$0x0], $0xffff  }
0x156: {  	v3 =	vld.idx.msk [tilespmem:v3+s7+$0x0], $0xffff  }
0x157: {  	v5 =	vld [tilespmem:$0x62A0];
	_ =	sdelay $0x2  }
0x158: {  	v0 =	vsub.f32 v2, v0  }
0x159: {  	v1 =	vsub.f32 v4, v1  }
0x15a: {  	v2 =	vsub.f32 v3, v5;
	v4 =	vld [tilespmem:$0x63B0]  }
0x15b: {  	v0 =	vmul.f32 v0, v0;
	v1 =	vmul.f32 v1, v1;
	_ =	sdelay $0x1  }
0x15c: {  	v0 =	vadd.f32 v1, v0;
	v1 =	vmul.f32 v2, v2;
	_ =	sdelay $0x1  }
0x15d: {  	v1 =	vadd.f32 v1, v0  }
0x15e: {  	v0 =	vld [tilespmem:$0x61B0]  }
.Ltmp1:
0x15f: {  	[tilespmem:$0x64A0] =	vst v1;
	v1 =	vld [tilespmem:$0x60B0];
	(pc) =	sbr.rel @p0 .LBB2_1-.Ltmp1, $4  }
0x160: {  	v2 =	vld.idx.msk [tilespmem:v4+s2+$0x0], $0xffff  }
0x161: {  	v3 =	vld.idx.msk [tilespmem:v4+s5+$0x0], $0xffff  }
0x162: {  	v4 =	vld.idx.msk [tilespmem:v4+s7+$0x0], $0xffff  }
0x163: {  	v5 =	vld [tilespmem:$0x62B0]  }
.LBB2_2:
0x164: {  	_ =	sdelay $0x2  }
0x165: {  	v1 =	vsub.f32 v2, v1;
	v0 =	vsub.f32 v3, v0;
	_ =	sdelay $0x1  }
0x166: {  	v63 =	vsub.f32 v4, v5;
	v1 =	vmul.f32 v1, v1;
	v0 =	vmul.f32 v0, v0;
	_ =	sdelay $0x1  }
0x167: {  	v2 =	vmul.f32 v63, v63;
	v0 =	vadd.f32 v0, v1;
	_ =	sdelay $0x1  }
0x168: {  	v0 =	vadd.f32 v2, v0;
	_ =	sdelay $0x1  }
0x169: {  	[tilespmem:$0x64B0] =	vst v0  }
0x16a: {  	[hbm4b:s17+s2] =	stream.linear.scatter [tilespmem:s19], [sflag:$0x2], $0xC0, $0x38;
	[tilespmem:$0x6500] =	vst v63  }
0x16b: {  	_ =	swait.ge [sflag:s18], $0xC0  }
0x16c: {  	[sflag:s18] =	ssyncset.done $0x0  }
0x16d: {  	[sflag:s18] =	ssyncadd.s32 $0xFFFFFF40  }
0x16e: {  	_ =	sfence.sel $0x180000  }
0x16f: {  	[bflag:$0x0] =	sbarrier.arrive $0xFFFF  }
0x170: {  	p0 =	sne.s32 s1, $0x0;
	_ =	strace $0x90000047  }
0x171: {  	s0 =	sadd.s32 @!p0 $0x100000, s0;
	[bflag:$0x2] =	sbarrier.arrive $0xFFFF  }
0x172: {  	[sflag:s0] =	ssyncadd.tile.s32 @!p0 $0x1;
	_ =	shalt  }
.Lfunc_end2:
_tile_overlayer_lowered:
.L_overlay_start_2:
0x173: {  	(tag) =	ssettag $0x2  }
0x174: {  	s0 =	rddreg [dreg:$0x0];
	s2 =	stileid.u32  }
0x175: {  	s1 =	rddreg [dreg:$0x1];
	p0 =	sne.s32 s2, $0x0  }
0x176: {  	s3 =	rddreg [dreg:$0x2];
	[bflag:$0x3] =	sbarrier.arrive $0xFFFF;
	s2 =	simm.s32 @!p0 $0x1C02  }
0x177: {  	[timem:s3], [sflag:s2] =	dma.local @!p0 [hbm:s0], s1  }
0x178: {  	s0 =	simm.s32 @!p0 $0x2  }
0x179: {  	_ =	swait.ge @!p0 [sflag:s0], s1  }
0x17a: {  	s1 =	ssub.s32 @!p0 $0x0, s1;
	[sflag:s0] =	ssyncset.done @!p0 $0x0  }
0x17b: {  	[sflag:s0] =	ssyncadd.s32 @!p0 s1  }
0x17c: {  	[bflag:$0x3] =	sbarrier.arrive $0xFFFF  }
0x17d: {  	_ =	shalt  }

// kernel: kernel.8.cloned.1.call-start
scs
__scs_entry_jumppad:
0x0: {  	(pc) =	sbr.rel $0x88, $3  }
0x1: {  	(tag) =	ssettag $0x0;
	lr =	simm.s32 $0x1  }
0x2: {  	[smem:$0x3F9D] =	sst lr;
	_ =	strace $0xD0000000  }
0x3: {  	_ = 	snop  }
0x4: {  	_ = 	snop  }
0x5: {  	_ = 	snop  }
0x6: {  	_ = 	snop  }
0x7: {  	_ = 	snop  }
__scs_overlays_trampoline_lowered:
0x8: {  	[smem:$0x3FAC] =	sst s0  }
0x9: {  	[smem:$0x3FAD] =	sst s1  }
0xa: {  	[smem:$0x3FAE] =	sst s2  }
0xb: {  	[smem:$0x3FAF] =	sst s3  }
0xc: {  	[smem:$0x3FB0] =	sst s4  }
0xd: {  	[smem:$0x3FB1] =	sst s5  }
0xe: {  	[smem:$0x3FB2] =	sst s6  }
0xf: {  	[smem:$0x3FB3] =	sst s7  }
0x10: {  	[smem:$0x3FB4] =	sst s8  }
0x11: {  	[smem:$0x3FB5] =	sst s9;
	s0 =	simm.s32 @!p0 $0x0  }
0x12: {  	s1 =	sld [smem:$0x3F9B];
	s0 =	simm.s32 @p0 $0x1  }
0x13: {  	[smem:$0x3FB6] =	sst s0;
	s0 =	simm.s32 @!p1 $0x0  }
0x14: {  	s2 =	sld [smem:$0x3F9A];
	s0 =	simm.s32 @p1 $0x1  }
0x15: {  	[smem:$0x3FB7] =	sst s0;
	s0 =	simm.s32 @!p2 $0x0  }
0x16: {  	s3 =	sld [smem:$0x3FDB];
	s0 =	simm.s32 @p2 $0x1  }
0x17: {  	s4 =	simm.s32 $0x1BF5;
	[smem:$0x3FB9] =	sst s0  }
0x18: {  	s0 =	sld [smem:$0x3F9C];
	_ =	swait.ge [sflag:s4], $0x0  }
0x19: {  	s7 =	sld [smem:$0x3F9D]  }
0x1a: {  	s8 =	sadd.s32 $0xFFFFE003, lr  }
0x1b: {  	s9 =	sadd.s32 $0xFFFFFEF7, lr;
	s5 =	simm.s32 $0xFFFFFFFF;
	p2 =	slt.u32 s8, $0xFFFFF086  }
0x1c: {  	p1 =	slt.u32 s9, $0xF7A;
	s5 =	simm.s32 @!p2 $0x0  }
0x1d: {  	s5 =	simm.s32 @p1 $0x1;
	p0 =	seq.s32 s7, s2  }
0x1e: {  	s7 =	smul.u32 @!p0 $0xF7A, s2;
	p2 =	seq.s32 @!p0 s5, $0x0  }
0x1f: {  	s9 =	smul.u32 $0xF7A, s1;
	s8 =	simm.s32 @!p0 $0x1BF5;
	p2 =	por !p2, p0  }
0x20: {  	[sflag:s8] =	ssyncset.s32 @!p0 $0xFFFFF086;
	s6 =	sadd.s32 @!p0 s3, s7;
	s7 =	simm.s32 @!p0 $0x108  }
0x21: {  	s3 =	sadd.s32 s3, s9;
	s6 =	sadd.s32 @!p0 $0x88, s6;
	s7 =	simm.s32 @p2 $0x1082  }
0x22: {  	[simem:s7], [sflag:s8] =	dma.local @!p0 [hbm:s6], $0xF7A  }
0x23: {  	s9 =	sor.u32 $0xD0000000, s2;
	s6 =	simm.s32 $0x108;
	_ =	swait.ge @!p0 [sflag:s8], $0x0  }
0x24: {  	s3 =	sadd.s32 $0x88, s3;
	s6 =	simm.s32 @!p1 $0x1082;
	[sflag:s4] =	ssyncset.s32 $0xFFFFF086  }
0x25: {  	[simem:s6], [sflag:s4] =	dma.local [hbm:s3], $0xF7A  }
0x26: {  	[smem:$0x3F9D] =	sst s1;
	(tag) =	ssettag s2;
	_ =	strace s9  }
0x27: {  	s1 =	sld [smem:$0x3FAD]  }
0x28: {  	s2 =	sld [smem:$0x3FAE]  }
0x29: {  	s4 =	sld [smem:$0x3FB0]  }
0x2a: {  	p0 =	seq.s32 s5, $0x0;
	s5 =	sld [smem:$0x3FB1]  }
0x2b: {  	s6 =	sld [smem:$0x3FB2]  }
0x2c: {  	s7 =	sld [smem:$0x3FB3]  }
0x2d: {  	s3 =	simm.s32 $0x108;
	s8 =	sld [smem:$0x3FB4]  }
0x2e: {  	s3 =	simm.s32 @!p0 $0x1082;
	s9 =	sld [smem:$0x3FB5]  }
0x2f: {  	lr =	sadd.s32 s0, s3;
	s0 =	sld [smem:$0x3FAC]  }
0x30: {  	s3 =	sld [smem:$0x3FAF]  }
0x31: {  	[smem:$0x3FB8] =	sst s10  }
0x32: {  	s10 =	sld [smem:$0x3FB6];
	_ =	sdelay $0x3  }
0x33: {  	p0 =	seq.s32 s10, $0x1;
	s10 =	sld [smem:$0x3FB8];
	_ =	sdelay $0x3  }
0x34: {  	[smem:$0x3FB8] =	sst s10  }
0x35: {  	s10 =	sld [smem:$0x3FB7];
	_ =	sdelay $0x3  }
0x36: {  	p1 =	seq.s32 s10, $0x1;
	s10 =	sld [smem:$0x3FB8];
	_ =	sdelay $0x3  }
0x37: {  	[smem:$0x3FB8] =	sst s10  }
0x38: {  	s10 =	sld [smem:$0x3FB9]  }
0x39: {  	_ = 	snop;
	(pc) =	sbr.ind lr, $3  }
0x3a: {  	_ = 	snop  }
0x3b: {  	_ = 	snop  }
0x3c: {  	p2 =	seq.s32 s10, $0x1;
	s10 =	sld [smem:$0x3FB8]  }
0x3d: {  	_ =	shalt  }
0x3e: {  	_ =	shalt  }
0x3f: {  	_ =	shalt  }
0x40: {  	_ =	shalt  }
0x41: {  	_ =	shalt  }
0x42: {  	_ =	shalt  }
0x43: {  	_ =	shalt  }
0x44: {  	_ =	shalt  }
0x45: {  	_ =	shalt  }
0x46: {  	_ =	shalt  }
0x47: {  	_ =	shalt  }
0x48: {  	_ =	shalt  }
0x49: {  	_ =	shalt  }
0x4a: {  	_ =	shalt  }
0x4b: {  	_ =	shalt  }
0x4c: {  	_ =	shalt  }
0x4d: {  	_ =	shalt  }
0x4e: {  	_ =	shalt  }
0x4f: {  	_ =	shalt  }
0x50: {  	_ =	shalt  }
0x51: {  	_ =	shalt  }
0x52: {  	_ =	shalt  }
0x53: {  	_ =	shalt  }
0x54: {  	_ =	shalt  }
0x55: {  	_ =	shalt  }
0x56: {  	_ =	shalt  }
0x57: {  	_ =	shalt  }
0x58: {  	_ =	shalt  }
0x59: {  	_ =	shalt  }
0x5a: {  	_ =	shalt  }
0x5b: {  	_ =	shalt  }
0x5c: {  	_ =	shalt  }
0x5d: {  	_ =	shalt  }
0x5e: {  	_ =	shalt  }
0x5f: {  	_ =	shalt  }
0x60: {  	_ =	shalt  }
0x61: {  	_ =	shalt  }
0x62: {  	_ =	shalt  }
0x63: {  	_ =	shalt  }
0x64: {  	_ =	shalt  }
0x65: {  	_ =	shalt  }
0x66: {  	_ =	shalt  }
0x67: {  	_ =	shalt  }
0x68: {  	_ =	shalt  }
0x69: {  	_ =	shalt  }
0x6a: {  	_ =	shalt  }
0x6b: {  	_ =	shalt  }
0x6c: {  	_ =	shalt  }
0x6d: {  	_ =	shalt  }
0x6e: {  	_ =	shalt  }
0x6f: {  	_ =	shalt  }
0x70: {  	_ =	shalt  }
0x71: {  	_ =	shalt  }
0x72: {  	_ =	shalt  }
0x73: {  	_ =	shalt  }
0x74: {  	_ =	shalt  }
0x75: {  	_ =	shalt  }
0x76: {  	_ =	shalt  }
0x77: {  	_ =	shalt  }
0x78: {  	_ =	shalt  }
0x79: {  	_ =	shalt  }
0x7a: {  	_ =	shalt  }
0x7b: {  	_ =	shalt  }
0x7c: {  	_ =	shalt  }
0x7d: {  	_ =	shalt  }
0x7e: {  	_ =	shalt  }
0x7f: {  	_ =	shalt  }
0x80: {  	_ =	shalt  }
0x81: {  	_ =	shalt  }
0x82: {  	_ =	shalt  }
0x83: {  	_ =	shalt  }
0x84: {  	_ =	shalt  }
0x85: {  	_ =	shalt  }
0x86: {  	_ =	shalt  }
0x87: {  	_ =	shalt  }
.Lfunc_end0:
.L_simem_size_0:
called_computation_lowered:
.L_overlay_start_0:
0x88: {  	s2 =	sld [smem:$0x3FD9]  }
0x89: {  	s3 =	sld [smem:$0x3FFE];
	_ =	sdelay $0x1  }
0x8a: {  	s1 =	srdreg.scid  }
0x8b: {  	s0 =	sand.u32 $0x1, s1  }
0x8c: {  	s17 =	sshll.u32 s0, $0xA;
	s2 =	sadd.s32 s3, s2  }
0x8d: {  	s2 =	sadd.s32 s2, s17  }
0x8e: {  	[smem:$0x3FC4] =	sst s2  }
0x8f: {  	_ = 	snop  }
0x90: {  	(tm) =	ssettm $0x1  }
0x91: {  	s18 =	sld [smem:$0x3FFB];
	_ =	sdelay $0x3  }
0x92: {  	_ =	strace s18  }
0x93: {  	s2 =	sld [smem:$0x3FFC];
	_ =	sdelay $0x3  }
0x94: {  	_ =	strace s2  }
0x95: {  	s2 =	sld [smem:$0x3FFD];
	_ =	sdelay $0x3  }
0x96: {  	_ =	strace s2  }
0x97: {  	_ =	strace $0x8FFFFFFF  }
0x98: {  	s19 =	sld [smem:$0x3FDB];
	_ =	sdelay $0x1  }
0x99: {  	s20 =	simm.s32 $_scs_section_size  }
0x9a: {  	s4 =	simm.s32 $_size__tile_overlayer_lowered;
	s5 =	simm.s32 $_tile_overlayer_lowered  }
0x9b: {  	s6 =	simm.s32 $0x1BFF;
	s21 =	sshll.u32 s5, $0x1;
	s3 =	sadd.s32 s20, s19  }
0x9c: {  	s22 =	simm.s32 $0x0;
	s4 =	sshll.u32 s4, $0x1;
	s5 =	sadd.s32 s21, s3  }
0x9d: {  	[timem:s22], [sflag:s6] =	dma.local [hbm:s5], s4  }
0x9e: {  	_ =	swait.ge [sflag:s6], s4  }
0x9f: {  	s4 =	ssub.s32 $0x0, s4;
	[sflag:s6] =	ssyncset.done $0x0  }
0xa0: {  	[sflag:s6] =	ssyncadd.s32 s4;
	_ =	sdelay $0x1  }
0xa1: {  	s23 =	simm.s32 $0x1B8B  }
0xa2: {  	_ =	swait.ge [sflag:s23], $0x1  }
0xa3: {  	[sflag:s23] =	ssyncset.done $0x0  }
0xa4: {  	[sflag:s23] =	ssyncadd.s32 $0xFFFFFFFF  }
0xa5: {  	s4 =	sld [smem:$0x0]  }
0xa6: {  	s5 =	sand.u32 $0xFFFFFFFE, s1  }
0xa7: {  	p0 =	sne.s32 s1, s5  }
0xa8: {  	s5 =	sshll.u32 @p0 s5, $0xE  }
0xa9: {  	s5 =	sadd.s32 @p0 $0x11B8D, s5;
	s6 =	sshll.u32 @p0 s4, $0x11  }
0xaa: {  	s5 =	sor.u32 @p0 s6, s5  }
0xab: {  	[sflag:s5] =	ssyncadd.remote.s32 @p0 $0x1;
	_ =	sdelay $0x1  }
0xac: {  	s5 =	simm.s32 @p0 $0x1B8D  }
0xad: {  	_ =	swait.eq @p0 [sflag:s5], $0x1  }
0xae: {  	[sflag:s5] =	ssyncadd.s32 @p0 $0xFFFFFFFF  }
0xaf: {  	s6 =	sshll.u32 @!p0 s1, $0xE  }
0xb0: {  	s6 =	sor.u32 @!p0 $0x4000, s6;
	s5 =	simm.s32 @!p0 $0x1B8D  }
0xb1: {  	s4 =	sshll.u32 @!p0 s4, $0x11;
	s6 =	sadd.s32 @!p0 $0x11B8D, s6;
	_ =	swait.eq @!p0 [sflag:s5], $0x1  }
0xb2: {  	s4 =	sor.u32 @!p0 s4, s6;
	[sflag:s5] =	ssyncadd.s32 @!p0 $0xFFFFFFFF  }
0xb3: {  	s25 =	simm.s32 $0x1B8E;
	s24 =	sld [smem:$0x3FFE];
	[sflag:s4] =	ssyncadd.remote.s32 @!p0 $0x1  }
0xb4: {  	s26 =	simm.s32 $execute0_lowered;
	[smem:$0x3FD2] =	sst s25  }
0xb5: {  	s5 =	sshll.u32 s26, $0x1;
	_ =	strace $0x80000049;
	[dreg:$0x1] =	wrdreg $0xFFFFFFFF  }
0xb6: {  	s28 =	simm.s32 $_size_execute0_lowered;
	s3 =	sadd.s32 s3, s5;
	[dreg:$0x0] =	wrdreg $0x0  }
0xb7: {  	s5 =	sshll.u32 s28, $0x1;
	[dreg:$0x2] =	wrdreg s3  }
0xb8: {  	[dreg:$0x3] =	wrdreg s5  }
0xb9: {  	[dreg:$0x4] =	wrdreg $0xC0  }
0xba: {  	_ =	task [dreg:s22], $0x5FFFF  }
0xbb: {  	[dreg:$0x1] =	wrdreg $0xFFFFFFFF  }
0xbc: {  	[dreg:$0x0] =	wrdreg $0x60  }
0xbd: {  	[dreg:$0x2] =	wrdreg s24  }
0xbe: {  	[dreg:$0x3] =	wrdreg $0x9  }
0xbf: {  	_ =	task.clear_ibuf [dreg:s22], $0x4FFFF;
	_ =	strace $0x90000049  }
0xc0: {  	s29 =	simm.s32 $0x9;
	_ =	strace $0x8000004B  }
0xc1: {  	_ =	swait.ge [sflag:s29], $0x1  }
0xc2: {  	[sflag:s29] =	ssyncadd.s32 $0xFFFFFFFF  }
0xc3: {  	_ =	strace $0x9000004B  }
0xc4: {  	_ =	sfence  }
0xc5: {  	s30 =	sld [smem:$0x0];
	_ =	sdelay $0x2  }
0xc6: {  	s31 =	sshll.u32 s1, $0xD;
	s1 =	sshrl.u32 s1, $0x2  }
0xc7: {  	s4 =	sand.u32 $0x4000, s31;
	s1 =	sadd.s32 s1, s30  }
0xc8: {  	s0 =	sor.u32 s4, s0;
	s1 =	sshll.u32 s1, $0x11  }
0xc9: {  	s0 =	sor.u32 s1, s0  }
0xca: {  	s0 =	sadd.s32 $0x8F2B, s0  }
0xcb: {  	[sflag:s0] =	ssyncadd.remote.s32 $0x1  }
0xcc: {  	_ =	sfence.sel $0xFFFF  }
0xcd: {  	[dreg:$0x0] =	wrdreg $0xFFFFFFFF;
	(pc) =	sbr.abs _section_cstart, $3  }
0xce: {  	[dreg:$0x1] =	wrdreg $0xFFFFFFFF  }
0xcf: {  	_ =	task.clear_ibuf [dreg:s22], $0x2FFFF;
	_ =	strace $0x9FFFFFFF  }
0xd0: {  	(tm) =	ssettm $0x7FFFFFFF  }
0xd1: {  	_ =	shalt  }
tec
execute0_lowered:
.L_overlay_start_1:
0x0: {  	(tag) =	ssettag $0x1  }
0x1: {  	s1 =	stileid.u32  }
0x2: {  	p0 =	sgt.u32 s1, $0x3  }
.Ltmp0:
0x3: {  	_ = 	snop;
	(pc) =	sbr.rel @p0 .LBB2_4-.Ltmp0, $4  }
0x4: {  	_ = 	snop  }
0x5: {  	s17 =	rddreg [dreg:$0x0];
	s2 =	simm.s32 $0x0  }
0x6: {  	[smem:$0x7FF] =	sst s2  }
0x7: {  	s0 =	rddreg [dreg:$0x1];
	_ =	strace $0x8000004A  }
0x8: {  	s3 =	sadd.s32 $0x1C00, s17;
	s6 =	srdreg.scid  }
0x9: {  	s4 =	sadd.s32 $0x1800, s17;
	s5 =	sadd.s32 $0x1400, s17;
	s18 =	sand.u32 $0x1, s6  }
0xa: {  	[tilespmem:s2], [sflag:$0x1] =	stream.linear.gather [hbm4b:s3+s2], $0x2000, $0x38;
	[tilespmem:$0x6500] =	vst v63  }
0xb: {  	s7 =	sshll.u32 s1, $0x6;
	s6 =	simm.s32 $0x2000;
	s8 =	sshll.u32 s18, $0x5  }
0xc: {  	[tilespmem:s6], [sflag:$0x1] =	stream.linear.gather [hbm4b:s4+s2], $0x2000, $0x38;
	[tilespmem:$0x6500] =	vst v63  }
0xd: {  	s9 =	sadd.s32 $0x2800, s17;
	s19 =	sor.u32 s8, s7;
	s7 =	simm.s32 $0x4000  }
0xe: {  	[tilespmem:s7], [sflag:$0x1] =	stream.linear.gather [hbm4b:s5+s2], $0x2000, $0x38;
	[tilespmem:$0x6500] =	vst v63  }
0xf: {  	s10 =	sadd.s32 $0x2400, s17;
	s8 =	sadd.s32 s9, s19;
	s9 =	simm.s32 $0x6000  }
0x10: {  	[tilespmem:s9], [sflag:$0x1] =	stream.linear.gather [hbm4b:s8+s2], $0x100, $0x38;
	[tilespmem:$0x6500] =	vst v63  }
0x11: {  	s12 =	sadd.s32 $0x2000, s17;
	s11 =	simm.s32 $0x6100;
	s10 =	sadd.s32 s10, s19  }
0x12: {  	[tilespmem:s11], [sflag:$0x1] =	stream.linear.gather [hbm4b:s10+s2], $0x100, $0x38;
	[tilespmem:$0x6500] =	vst v63  }
0x13: {  	s14 =	sadd.s32 $0x5400, s17;
	s13 =	simm.s32 $0x6200;
	s12 =	sadd.s32 s12, s19  }
0x14: {  	[tilespmem:s13], [sflag:$0x1] =	stream.linear.gather [hbm4b:s12+s2], $0x100, $0x38;
	[tilespmem:$0x6500] =	vst v63  }
0x15: {  	s15 =	simm.s32 $0x6300;
	s16 =	simm.s32 $0x1;
	s14 =	sadd.s32 s14, s19  }
0x16: {  	[tilespmem:s15], [sflag:$0x1] =	stream.linear.gather [hbm4b:s14+s2], $0x100, $0x38;
	[tilespmem:$0x6500] =	vst v63  }
0x17: {  	_ =	swait.ge [sflag:s16], $0x2000  }
0x18: {  	[sflag:s16] =	ssyncset.done $0x0  }
0x19: {  	[sflag:s16] =	ssyncadd.s32 $0xFFFFE000  }
0x1a: {  	_ =	swait.ge [sflag:s16], $0x2000  }
0x1b: {  	[sflag:s16] =	ssyncset.done $0x0  }
0x1c: {  	[sflag:s16] =	ssyncadd.s32 $0xFFFFE000  }
0x1d: {  	_ =	swait.ge [sflag:s16], $0x2000  }
0x1e: {  	[sflag:s16] =	ssyncset.done $0x0  }
0x1f: {  	[sflag:s16] =	ssyncadd.s32 $0xFFFFE000  }
0x20: {  	_ =	swait.ge [sflag:s16], $0x100  }
0x21: {  	[sflag:s16] =	ssyncset.done $0x0  }
0x22: {  	[sflag:s16] =	ssyncadd.s32 $0xFFFFFF00  }
0x23: {  	_ =	swait.ge [sflag:s16], $0x100  }
0x24: {  	[sflag:s16] =	ssyncset.done $0x0  }
0x25: {  	[sflag:s16] =	ssyncadd.s32 $0xFFFFFF00  }
0x26: {  	_ =	swait.ge [sflag:s16], $0x100  }
0x27: {  	[sflag:s16] =	ssyncset.done $0x0  }
0x28: {  	[sflag:s16] =	ssyncadd.s32 $0xFFFFFF00  }
0x29: {  	_ =	swait.ge [sflag:s16], $0x100  }
0x2a: {  	[sflag:s16] =	ssyncset.done $0x0  }
0x2b: {  	[sflag:s16] =	ssyncadd.s32 $0xFFFFFF00  }
0x2c: {  	v0 =	vld [tilespmem:$0x6300];
	_ =	sdelay $0x5  }
0x2d: {  	v1 =	vld [tilespmem:$0x6100]  }
0x2e: {  	v4 =	vld [tilespmem:$0x6000]  }
0x2f: {  	v2 =	vld.idx.msk [tilespmem:v0+s2+$0x0], $0xffff  }
0x30: {  	v3 =	vld.idx.msk [tilespmem:v0+s6+$0x0], $0xffff  }
0x31: {  	v5 =	vld [tilespmem:$0x6200]  }
0x32: {  	v0 =	vld.idx.msk [tilespmem:v0+s7+$0x0], $0xffff;
	_ =	sdelay $0x2  }
0x33: {  	v2 =	vsub.f32 v2, v4;
	v1 =	vsub.f32 v3, v1  }
0x34: {  	v3 =	vld [tilespmem:$0x6310]  }
0x35: {  	v0 =	vsub.f32 v0, v5;
	v2 =	vmul.f32 v2, v2;
	v1 =	vmul.f32 v1, v1;
	_ =	sdelay $0x1  }
0x36: {  	v0 =	vmul.f32 v0, v0;
	v1 =	vadd.f32 v1, v2;
	_ =	sdelay $0x1  }
0x37: {  	v0 =	vadd.f32 v0, v1  }
0x38: {  	v4 =	vld [tilespmem:$0x6110]  }
0x39: {  	[tilespmem:$0x6400] =	vst v0;
	v0 =	vld [tilespmem:$0x6010]  }
0x3a: {  	v1 =	vld.idx.msk [tilespmem:v3+s2+$0x0], $0xffff  }
0x3b: {  	v2 =	vld.idx.msk [tilespmem:v3+s6+$0x0], $0xffff  }
0x3c: {  	v5 =	vld [tilespmem:$0x6210]  }
0x3d: {  	v3 =	vld.idx.msk [tilespmem:v3+s7+$0x0], $0xffff;
	_ =	sdelay $0x2  }
0x3e: {  	v0 =	vsub.f32 v1, v0;
	v1 =	vsub.f32 v2, v4  }
0x3f: {  	v2 =	vld [tilespmem:$0x6320]  }
0x40: {  	v3 =	vsub.f32 v3, v5;
	v0 =	vmul.f32 v0, v0;
	v1 =	vmul.f32 v1, v1;
	_ =	sdelay $0x1  }
0x41: {  	v0 =	vadd.f32 v1, v0;
	v1 =	vmul.f32 v3, v3;
	_ =	sdelay $0x1  }
0x42: {  	v0 =	vadd.f32 v1, v0  }
0x43: {  	v1 =	vld [tilespmem:$0x6020]  }
0x44: {  	[tilespmem:$0x6410] =	vst v0;
	v0 =	vld [tilespmem:$0x6120]  }
0x45: {  	v3 =	vld.idx.msk [tilespmem:v2+s6+$0x0], $0xffff  }
0x46: {  	v4 =	vld.idx.msk [tilespmem:v2+s2+$0x0], $0xffff  }
0x47: {  	v5 =	vld [tilespmem:$0x6220]  }
0x48: {  	v2 =	vld.idx.msk [tilespmem:v2+s7+$0x0], $0xffff;
	_ =	sdelay $0x2  }
0x49: {  	v0 =	vsub.f32 v3, v0;
	v1 =	vsub.f32 v4, v1  }
0x4a: {  	v3 =	vld [tilespmem:$0x6330]  }
0x4b: {  	v2 =	vsub.f32 v2, v5;
	v1 =	vmul.f32 v1, v1;
	v0 =	vmul.f32 v0, v0;
	_ =	sdelay $0x1  }
0x4c: {  	v0 =	vadd.f32 v0, v1;
	v1 =	vmul.f32 v2, v2;
	_ =	sdelay $0x1  }
0x4d: {  	v0 =	vadd.f32 v1, v0  }
0x4e: {  	v1 =	vld [tilespmem:$0x6030]  }
0x4f: {  	[tilespmem:$0x6420] =	vst v0;
	v0 =	vld [tilespmem:$0x6130]  }
0x50: {  	v2 =	vld.idx.msk [tilespmem:v3+s6+$0x0], $0xffff  }
0x51: {  	v4 =	vld.idx.msk [tilespmem:v3+s2+$0x0], $0xffff  }
0x52: {  	v5 =	vld [tilespmem:$0x6230]  }
0x53: {  	v3 =	vld.idx.msk [tilespmem:v3+s7+$0x0], $0xffff;
	_ =	sdelay $0x2  }
0x54: {  	v0 =	vsub.f32 v2, v0;
	v1 =	vsub.f32 v4, v1  }
0x55: {  	v2 =	vld [tilespmem:$0x6340]  }
0x56: {  	v3 =	vsub.f32 v3, v5;
	v1 =	vmul.f32 v1, v1;
	v0 =	vmul.f32 v0, v0;
	_ =	sdelay $0x1  }
0x57: {  	v0 =	vadd.f32 v0, v1;
	v1 =	vmul.f32 v3, v3;
	_ =	sdelay $0x1  }
0x58: {  	v0 =	vadd.f32 v1, v0  }
0x59: {  	v1 =	vld [tilespmem:$0x6040]  }
0x5a: {  	[tilespmem:$0x6430] =	vst v0;
	v0 =	vld [tilespmem:$0x6140]  }
0x5b: {  	v3 =	vld.idx.msk [tilespmem:v2+s6+$0x0], $0xffff  }
0x5c: {  	v4 =	vld.idx.msk [tilespmem:v2+s2+$0x0], $0xffff  }
0x5d: {  	v5 =	vld [tilespmem:$0x6240]  }
0x5e: {  	v2 =	vld.idx.msk [tilespmem:v2+s7+$0x0], $0xffff;
	_ =	sdelay $0x2  }
0x5f: {  	v0 =	vsub.f32 v3, v0;
	v1 =	vsub.f32 v4, v1  }
0x60: {  	v3 =	vld [tilespmem:$0x6350]  }
0x61: {  	v2 =	vsub.f32 v2, v5;
	v1 =	vmul.f32 v1, v1;
	v0 =	vmul.f32 v0, v0;
	_ =	sdelay $0x1  }
0x62: {  	v0 =	vadd.f32 v0, v1;
	v1 =	vmul.f32 v2, v2;
	_ =	sdelay $0x1  }
0x63: {  	v0 =	vadd.f32 v1, v0  }
0x64: {  	v1 =	vld [tilespmem:$0x6150]  }
0x65: {  	[tilespmem:$0x6440] =	vst v0;
	v0 =	vld [tilespmem:$0x6050]  }
0x66: {  	v2 =	vld.idx.msk [tilespmem:v3+s2+$0x0], $0xffff  }
0x67: {  	v4 =	vld.idx.msk [tilespmem:v3+s6+$0x0], $0xffff  }
0x68: {  	v5 =	vld [tilespmem:$0x6250]  }
0x69: {  	v3 =	vld.idx.msk [tilespmem:v3+s7+$0x0], $0xffff;
	_ =	sdelay $0x2  }
0x6a: {  	v0 =	vsub.f32 v2, v0;
	v1 =	vsub.f32 v4, v1  }
0x6b: {  	v2 =	vld [tilespmem:$0x6360]  }
0x6c: {  	v3 =	vsub.f32 v3, v5;
	v0 =	vmul.f32 v0, v0;
	v1 =	vmul.f32 v1, v1;
	_ =	sdelay $0x1  }
0x6d: {  	v0 =	vadd.f32 v1, v0;
	v1 =	vmul.f32 v3, v3;
	_ =	sdelay $0x1  }
0x6e: {  	v0 =	vadd.f32 v1, v0  }
0x6f: {  	v1 =	vld [tilespmem:$0x6160]  }
0x70: {  	[tilespmem:$0x6450] =	vst v0;
	v0 =	vld [tilespmem:$0x6060]  }
0x71: {  	v3 =	vld.idx.msk [tilespmem:v2+s2+$0x0], $0xffff  }
0x72: {  	v4 =	vld.idx.msk [tilespmem:v2+s6+$0x0], $0xffff  }
0x73: {  	v5 =	vld [tilespmem:$0x6260]  }
0x74: {  	v2 =	vld.idx.msk [tilespmem:v2+s7+$0x0], $0xffff;
	_ =	sdelay $0x2  }
0x75: {  	v0 =	vsub.f32 v3, v0;
	v1 =	vsub.f32 v4, v1  }
0x76: {  	v3 =	vld [tilespmem:$0x6370]  }
0x77: {  	v2 =	vsub.f32 v2, v5;
	v0 =	vmul.f32 v0, v0;
	v1 =	vmul.f32 v1, v1;
	_ =	sdelay $0x1  }
0x78: {  	v0 =	vadd.f32 v1, v0;
	v1 =	vmul.f32 v2, v2;
	_ =	sdelay $0x1  }
0x79: {  	v0 =	vadd.f32 v1, v0  }
0x7a: {  	v1 =	vld [tilespmem:$0x6170]  }
0x7b: {  	[tilespmem:$0x6460] =	vst v0;
	v0 =	vld [tilespmem:$0x6070]  }
0x7c: {  	v2 =	vld.idx.msk [tilespmem:v3+s2+$0x0], $0xffff  }
0x7d: {  	v4 =	vld.idx.msk [tilespmem:v3+s6+$0x0], $0xffff  }
0x7e: {  	v5 =	vld [tilespmem:$0x6270]  }
0x7f: {  	v3 =	vld.idx.msk [tilespmem:v3+s7+$0x0], $0xffff;
	_ =	sdelay $0x2  }
0x80: {  	v0 =	vsub.f32 v2, v0;
	v1 =	vsub.f32 v4, v1  }
0x81: {  	v2 =	vld [tilespmem:$0x6380]  }
0x82: {  	v3 =	vsub.f32 v3, v5;
	v0 =	vmul.f32 v0, v0;
	v1 =	vmul.f32 v1, v1;
	_ =	sdelay $0x1  }
0x83: {  	v0 =	vadd.f32 v1, v0;
	v1 =	vmul.f32 v3, v3;
	_ =	sdelay $0x1  }
0x84: {  	v0 =	vadd.f32 v1, v0  }
0x85: {  	v1 =	vld [tilespmem:$0x6180]  }
0x86: {  	[tilespmem:$0x6470] =	vst v0;
	v0 =	vld [tilespmem:$0x6080]  }
0x87: {  	v3 =	vld.idx.msk [tilespmem:v2+s2+$0x0], $0xffff  }
0x88: {  	v4 =	vld.idx.msk [tilespmem:v2+s6+$0x0], $0xffff  }
0x89: {  	v5 =	vld [tilespmem:$0x6280]  }
0x8a: {  	v2 =	vld.idx.msk [tilespmem:v2+s7+$0x0], $0xffff;
	_ =	sdelay $0x2  }
0x8b: {  	v0 =	vsub.f32 v3, v0;
	v1 =	vsub.f32 v4, v1  }
0x8c: {  	v3 =	vld [tilespmem:$0x6390]  }
0x8d: {  	v2 =	vsub.f32 v2, v5;
	v0 =	vmul.f32 v0, v0;
	v1 =	vmul.f32 v1, v1;
	_ =	sdelay $0x1  }
0x8e: {  	v0 =	vadd.f32 v1, v0;
	v1 =	vmul.f32 v2, v2;
	_ =	sdelay $0x1  }
0x8f: {  	v0 =	vadd.f32 v1, v0  }
0x90: {  	v1 =	vld [tilespmem:$0x6190]  }
0x91: {  	[tilespmem:$0x6480] =	vst v0;
	v0 =	vld [tilespmem:$0x6090]  }
0x92: {  	v2 =	vld.idx.msk [tilespmem:v3+s2+$0x0], $0xffff  }
0x93: {  	v4 =	vld.idx.msk [tilespmem:v3+s6+$0x0], $0xffff  }
0x94: {  	v5 =	vld [tilespmem:$0x6290]  }
0x95: {  	v3 =	vld.idx.msk [tilespmem:v3+s7+$0x0], $0xffff;
	_ =	sdelay $0x2  }
0x96: {  	v0 =	vsub.f32 v2, v0;
	v1 =	vsub.f32 v4, v1  }
0x97: {  	v2 =	vld [tilespmem:$0x63A0]  }
0x98: {  	v3 =	vsub.f32 v3, v5;
	v0 =	vmul.f32 v0, v0;
	v1 =	vmul.f32 v1, v1;
	_ =	sdelay $0x1  }
0x99: {  	v0 =	vadd.f32 v1, v0;
	v1 =	vmul.f32 v3, v3;
	_ =	sdelay $0x1  }
0x9a: {  	v0 =	vadd.f32 v1, v0  }
0x9b: {  	v1 =	vld [tilespmem:$0x61A0]  }
0x9c: {  	[tilespmem:$0x6490] =	vst v0;
	v0 =	vld [tilespmem:$0x60A0]  }
0x9d: {  	v3 =	vld.idx.msk [tilespmem:v2+s2+$0x0], $0xffff  }
0x9e: {  	v4 =	vld.idx.msk [tilespmem:v2+s6+$0x0], $0xffff  }
0x9f: {  	v5 =	vld [tilespmem:$0x62A0]  }
0xa0: {  	v2 =	vld.idx.msk [tilespmem:v2+s7+$0x0], $0xffff;
	_ =	sdelay $0x2  }
0xa1: {  	v0 =	vsub.f32 v3, v0;
	v1 =	vsub.f32 v4, v1  }
0xa2: {  	v3 =	vld [tilespmem:$0x63B0]  }
0xa3: {  	v2 =	vsub.f32 v2, v5;
	v0 =	vmul.f32 v0, v0;
	v1 =	vmul.f32 v1, v1;
	_ =	sdelay $0x1  }
0xa4: {  	v0 =	vadd.f32 v1, v0;
	v1 =	vmul.f32 v2, v2;
	_ =	sdelay $0x1  }
0xa5: {  	v0 =	vadd.f32 v1, v0  }
0xa6: {  	v1 =	vld [tilespmem:$0x61B0]  }
0xa7: {  	[tilespmem:$0x64A0] =	vst v0;
	v0 =	vld [tilespmem:$0x60B0]  }
0xa8: {  	v2 =	vld.idx.msk [tilespmem:v3+s2+$0x0], $0xffff  }
0xa9: {  	v4 =	vld.idx.msk [tilespmem:v3+s6+$0x0], $0xffff  }
0xaa: {  	v5 =	vld [tilespmem:$0x62B0]  }
0xab: {  	v3 =	vld.idx.msk [tilespmem:v3+s7+$0x0], $0xffff;
	_ =	sdelay $0x2  }
0xac: {  	v0 =	vsub.f32 v2, v0;
	v1 =	vsub.f32 v4, v1  }
0xad: {  	v2 =	vld [tilespmem:$0x63C0]  }
0xae: {  	v3 =	vsub.f32 v3, v5;
	v0 =	vmul.f32 v0, v0;
	v1 =	vmul.f32 v1, v1;
	_ =	sdelay $0x1  }
0xaf: {  	v0 =	vadd.f32 v1, v0;
	v1 =	vmul.f32 v3, v3;
	_ =	sdelay $0x1  }
0xb0: {  	v0 =	vadd.f32 v1, v0  }
0xb1: {  	v1 =	vld [tilespmem:$0x61C0]  }
0xb2: {  	[tilespmem:$0x64B0] =	vst v0;
	v0 =	vld [tilespmem:$0x60C0]  }
0xb3: {  	v3 =	vld.idx.msk [tilespmem:v2+s2+$0x0], $0xffff  }
0xb4: {  	v4 =	vld.idx.msk [tilespmem:v2+s6+$0x0], $0xffff  }
0xb5: {  	v5 =	vld [tilespmem:$0x62C0]  }
0xb6: {  	v2 =	vld.idx.msk [tilespmem:v2+s7+$0x0], $0xffff;
	_ =	sdelay $0x2  }
0xb7: {  	v0 =	vsub.f32 v3, v0;
	v1 =	vsub.f32 v4, v1  }
0xb8: {  	v3 =	vld [tilespmem:$0x63D0]  }
0xb9: {  	v2 =	vsub.f32 v2, v5;
	v0 =	vmul.f32 v0, v0;
	v1 =	vmul.f32 v1, v1;
	_ =	sdelay $0x1  }
0xba: {  	v0 =	vadd.f32 v1, v0;
	v1 =	vmul.f32 v2, v2;
	_ =	sdelay $0x1  }
0xbb: {  	v0 =	vadd.f32 v1, v0  }
0xbc: {  	v1 =	vld [tilespmem:$0x61D0]  }
0xbd: {  	[tilespmem:$0x64C0] =	vst v0;
	v0 =	vld [tilespmem:$0x60D0]  }
0xbe: {  	v2 =	vld.idx.msk [tilespmem:v3+s2+$0x0], $0xffff  }
0xbf: {  	v4 =	vld.idx.msk [tilespmem:v3+s6+$0x0], $0xffff  }
0xc0: {  	v5 =	vld [tilespmem:$0x62D0]  }
0xc1: {  	v3 =	vld.idx.msk [tilespmem:v3+s7+$0x0], $0xffff;
	_ =	sdelay $0x2  }
0xc2: {  	v0 =	vsub.f32 v2, v0;
	v1 =	vsub.f32 v4, v1  }
0xc3: {  	v2 =	vld [tilespmem:$0x63E0]  }
0xc4: {  	v3 =	vsub.f32 v3, v5;
	v0 =	vmul.f32 v0, v0;
	v1 =	vmul.f32 v1, v1;
	_ =	sdelay $0x1  }
0xc5: {  	v0 =	vadd.f32 v1, v0;
	v1 =	vmul.f32 v3, v3;
	_ =	sdelay $0x1  }
0xc6: {  	v0 =	vadd.f32 v1, v0  }
0xc7: {  	v1 =	vld [tilespmem:$0x61E0]  }
0xc8: {  	[tilespmem:$0x64D0] =	vst v0;
	v0 =	vld [tilespmem:$0x60E0]  }
0xc9: {  	v3 =	vld.idx.msk [tilespmem:v2+s2+$0x0], $0xffff  }
0xca: {  	v4 =	vld.idx.msk [tilespmem:v2+s6+$0x0], $0xffff  }
0xcb: {  	v5 =	vld [tilespmem:$0x62E0]  }
0xcc: {  	v2 =	vld.idx.msk [tilespmem:v2+s7+$0x0], $0xffff;
	_ =	sdelay $0x2  }
0xcd: {  	v3 =	vsub.f32 v3, v0;
	v1 =	vsub.f32 v4, v1  }
0xce: {  	s18 =	ssub.s32 $0x2, s18;
	v0 =	vld [tilespmem:$0x63F0]  }
0xcf: {  	s20 =	sshrl.u32 s18, $0x1;
	v2 =	vsub.f32 v2, v5;
	v3 =	vmul.f32 v3, v3;
	v1 =	vmul.f32 v1, v1  }
0xd0: {  	s18 =	ssub.s32 s18, s20  }
0xd1: {  	s20 =	smax.u32 s18, $0x1;
	v2 =	vmul.f32 v2, v2;
	v1 =	vadd.f32 v1, v3  }
0xd2: {  	p0 =	sne.s32 s20, $0x1  }
.Ltmp1:
0xd3: {  	v2 =	vadd.f32 v2, v1;
	(pc) =	sbr.rel @!p0 .LBB2_3-.Ltmp1, $4  }
0xd4: {  	v1 =	vld [tilespmem:$0x61F0]  }
0xd5: {  	[tilespmem:$0x64E0] =	vst v2;
	v2 =	vld [tilespmem:$0x60F0]  }
0xd6: {  	s31 =	sadd.s32 s19, s17;
	s19 =	simm.s32 $0x6400;
	v3 =	vld.idx.msk [tilespmem:v0+s2+$0x0], $0xffff  }
0xd7: {  	s17 =	sadd.s32 $0x2C00, s31;
	s18 =	simm.s32 $0x2;
	s20 =	sadd.s32 $0xFFFFFFFF, s20;
	v4 =	vld.idx.msk [tilespmem:v0+s6+$0x0], $0xffff  }
.LBB2_2:
0xd8: {  	p0 =	sne.s32 s20, $0x1;
	s20 =	sadd.s32 $0xFFFFFFFF, s20;
	v0 =	vld.idx.msk [tilespmem:v0+s7+$0x0], $0xffff  }
0xd9: {  	v5 =	vld [tilespmem:$0x62F0];
	_ =	sdelay $0x2  }
0xda: {  	v2 =	vsub.f32 v3, v2  }
0xdb: {  	v1 =	vsub.f32 v4, v1  }
0xdc: {  	v2 =	vmul.f32 v2, v2;
	v0 =	vsub.f32 v0, v5  }
0xdd: {  	v1 =	vmul.f32 v1, v1  }
0xde: {  	v0 =	vmul.f32 v0, v0  }
0xdf: {  	v1 =	vadd.f32 v1, v2;
	_ =	sdelay $0x1  }
0xe0: {  	v0 =	vadd.f32 v0, v1;
	_ =	sdelay $0x1  }
0xe1: {  	[tilespmem:$0x64F0] =	vst v0  }
0xe2: {  	[hbm4b:s17+s2] =	stream.linear.scatter [tilespmem:s19], [sflag:$0x2], $0x100, $0x38;
	[tilespmem:$0x6500] =	vst v63  }
0xe3: {  	_ =	swait.ge [sflag:s18], $0x100  }
0xe4: {  	[sflag:s18] =	ssyncset.done $0x0  }
0xe5: {  	[sflag:s18] =	ssyncadd.s32 $0xFFFFFF00  }
0xe6: {  	[tilespmem:s2], [sflag:$0x1] =	stream.linear.gather [hbm4b:s3+s2], $0x2000, $0x38;
	[tilespmem:$0x6500] =	vst v63  }
0xe7: {  	_ = 	snop  }
0xe8: {  	[tilespmem:s6], [sflag:$0x1] =	stream.linear.gather [hbm4b:s4+s2], $0x2000, $0x38;
	[tilespmem:$0x6500] =	vst v63  }
0xe9: {  	_ = 	snop  }
0xea: {  	[tilespmem:s7], [sflag:$0x1] =	stream.linear.gather [hbm4b:s5+s2], $0x2000, $0x38;
	[tilespmem:$0x6500] =	vst v63  }
0xeb: {  	_ = 	snop  }
0xec: {  	[tilespmem:s9], [sflag:$0x1] =	stream.linear.gather [hbm4b:s8+s2], $0x100, $0x38;
	[tilespmem:$0x6500] =	vst v63  }
0xed: {  	_ = 	snop  }
0xee: {  	[tilespmem:s11], [sflag:$0x1] =	stream.linear.gather [hbm4b:s10+s2], $0x100, $0x38;
	[tilespmem:$0x6500] =	vst v63  }
0xef: {  	_ = 	snop  }
0xf0: {  	[tilespmem:s13], [sflag:$0x1] =	stream.linear.gather [hbm4b:s12+s2], $0x100, $0x38;
	[tilespmem:$0x6500] =	vst v63  }
0xf1: {  	_ = 	snop  }
0xf2: {  	[tilespmem:s15], [sflag:$0x1] =	stream.linear.gather [hbm4b:s14+s2], $0x100, $0x38;
	[tilespmem:$0x6500] =	vst v63  }
0xf3: {  	_ =	swait.ge [sflag:s16], $0x2000  }
0xf4: {  	[sflag:s16] =	ssyncset.done $0x0  }
0xf5: {  	[sflag:s16] =	ssyncadd.s32 $0xFFFFE000  }
0xf6: {  	_ =	swait.ge [sflag:s16], $0x2000  }
0xf7: {  	[sflag:s16] =	ssyncset.done $0x0  }
0xf8: {  	[sflag:s16] =	ssyncadd.s32 $0xFFFFE000  }
0xf9: {  	_ =	swait.ge [sflag:s16], $0x2000  }
0xfa: {  	[sflag:s16] =	ssyncset.done $0x0  }
0xfb: {  	[sflag:s16] =	ssyncadd.s32 $0xFFFFE000  }
0xfc: {  	_ =	swait.ge [sflag:s16], $0x100  }
0xfd: {  	[sflag:s16] =	ssyncset.done $0x0  }
0xfe: {  	[sflag:s16] =	ssyncadd.s32 $0xFFFFFF00  }
0xff: {  	_ =	swait.ge [sflag:s16], $0x100  }
0x100: {  	[sflag:s16] =	ssyncset.done $0x0  }
0x101: {  	[sflag:s16] =	ssyncadd.s32 $0xFFFFFF00  }
0x102: {  	_ =	swait.ge [sflag:s16], $0x100  }
0x103: {  	[sflag:s16] =	ssyncset.done $0x0  }
0x104: {  	[sflag:s16] =	ssyncadd.s32 $0xFFFFFF00  }
0x105: {  	_ =	swait.ge [sflag:s16], $0x100  }
0x106: {  	[sflag:s16] =	ssyncset.done $0x0  }
0x107: {  	[sflag:s16] =	ssyncadd.s32 $0xFFFFFF00  }
0x108: {  	v0 =	vld [tilespmem:$0x6300];
	_ =	sdelay $0x6  }
0x109: {  	v1 =	vld [tilespmem:$0x6100]  }
0x10a: {  	v2 =	vld.idx.msk [tilespmem:v0+s2+$0x0], $0xffff  }
0x10b: {  	v3 =	vld.idx.msk [tilespmem:v0+s6+$0x0], $0xffff  }
0x10c: {  	v4 =	vld [tilespmem:$0x6000]  }
0x10d: {  	v0 =	vld.idx.msk [tilespmem:v0+s7+$0x0], $0xffff  }
0x10e: {  	v5 =	vld [tilespmem:$0x6200];
	_ =	sdelay $0x2  }
0x10f: {  	v1 =	vsub.f32 v3, v1;
	v2 =	vsub.f32 v2, v4  }
0x110: {  	v3 =	vld [tilespmem:$0x6310]  }
0x111: {  	v1 =	vmul.f32 v1, v1;
	v0 =	vsub.f32 v0, v5;
	v2 =	vmul.f32 v2, v2;
	_ =	sdelay $0x1  }
0x112: {  	v1 =	vadd.f32 v1, v2;
	v0 =	vmul.f32 v0, v0;
	_ =	sdelay $0x1  }
0x113: {  	v0 =	vadd.f32 v0, v1;
	_ =	sdelay $0x1  }
0x114: {  	[tilespmem:$0x6400] =	vst v0;
	v0 =	vld [tilespmem:$0x6010]  }
0x115: {  	v1 =	vld.idx.msk [tilespmem:v3+s2+$0x0], $0xffff  }
0x116: {  	v2 =	vld.idx.msk [tilespmem:v3+s6+$0x0], $0xffff  }
0x117: {  	v4 =	vld [tilespmem:$0x6110]  }
0x118: {  	v3 =	vld.idx.msk [tilespmem:v3+s7+$0x0], $0xffff  }
0x119: {  	v5 =	vld [tilespmem:$0x6210];
	_ =	sdelay $0x1  }
0x11a: {  	v0 =	vsub.f32 v1, v0  }
0x11b: {  	v1 =	vsub.f32 v2, v4  }
0x11c: {  	v2 =	vld [tilespmem:$0x6320]  }
0x11d: {  	v0 =	vmul.f32 v0, v0;
	v3 =	vsub.f32 v3, v5;
	v1 =	vmul.f32 v1, v1;
	_ =	sdelay $0x1  }
0x11e: {  	v0 =	vadd.f32 v1, v0;
	v1 =	vmul.f32 v3, v3;
	_ =	sdelay $0x1  }
0x11f: {  	v0 =	vadd.f32 v1, v0  }
0x120: {  	v1 =	vld [tilespmem:$0x6020]  }
0x121: {  	[tilespmem:$0x6410] =	vst v0;
	v0 =	vld [tilespmem:$0x6120]  }
0x122: {  	v3 =	vld.idx.msk [tilespmem:v2+s6+$0x0], $0xffff  }
0x123: {  	v4 =	vld.idx.msk [tilespmem:v2+s2+$0x0], $0xffff  }
0x124: {  	v2 =	vld.idx.msk [tilespmem:v2+s7+$0x0], $0xffff  }
0x125: {  	v5 =	vld [tilespmem:$0x6220];
	_ =	sdelay $0x2  }
0x126: {  	v0 =	vsub.f32 v3, v0  }
0x127: {  	v1 =	vsub.f32 v4, v1  }
0x128: {  	v2 =	vsub.f32 v2, v5;
	v3 =	vld [tilespmem:$0x6330]  }
0x129: {  	v0 =	vmul.f32 v0, v0;
	v1 =	vmul.f32 v1, v1;
	_ =	sdelay $0x1  }
0x12a: {  	v0 =	vadd.f32 v0, v1;
	v1 =	vmul.f32 v2, v2;
	_ =	sdelay $0x1  }
0x12b: {  	v0 =	vadd.f32 v1, v0  }
0x12c: {  	v1 =	vld [tilespmem:$0x6030]  }
0x12d: {  	[tilespmem:$0x6420] =	vst v0;
	v0 =	vld [tilespmem:$0x6130]  }
0x12e: {  	v2 =	vld.idx.msk [tilespmem:v3+s6+$0x0], $0xffff  }
0x12f: {  	v4 =	vld.idx.msk [tilespmem:v3+s2+$0x0], $0xffff  }
0x130: {  	v3 =	vld.idx.msk [tilespmem:v3+s7+$0x0], $0xffff  }
0x131: {  	v5 =	vld [tilespmem:$0x6230];
	_ =	sdelay $0x2  }
0x132: {  	v0 =	vsub.f32 v2, v0  }
0x133: {  	v1 =	vsub.f32 v4, v1  }
0x134: {  	v2 =	vsub.f32 v3, v5;
	v3 =	vld [tilespmem:$0x6340]  }
0x135: {  	v0 =	vmul.f32 v0, v0;
	v1 =	vmul.f32 v1, v1;
	_ =	sdelay $0x1  }
0x136: {  	v0 =	vadd.f32 v0, v1;
	v1 =	vmul.f32 v2, v2;
	_ =	sdelay $0x1  }
0x137: {  	v0 =	vadd.f32 v1, v0  }
0x138: {  	v1 =	vld [tilespmem:$0x6040]  }
0x139: {  	[tilespmem:$0x6430] =	vst v0;
	v0 =	vld [tilespmem:$0x6140]  }
0x13a: {  	v2 =	vld.idx.msk [tilespmem:v3+s6+$0x0], $0xffff  }
0x13b: {  	v4 =	vld.idx.msk [tilespmem:v3+s2+$0x0], $0xffff  }
0x13c: {  	v3 =	vld.idx.msk [tilespmem:v3+s7+$0x0], $0xffff  }
0x13d: {  	v5 =	vld [tilespmem:$0x6240];
	_ =	sdelay $0x2  }
0x13e: {  	v0 =	vsub.f32 v2, v0  }
0x13f: {  	v1 =	vsub.f32 v4, v1  }
0x140: {  	v2 =	vsub.f32 v3, v5;
	v3 =	vld [tilespmem:$0x6350]  }
0x141: {  	v0 =	vmul.f32 v0, v0;
	v1 =	vmul.f32 v1, v1;
	_ =	sdelay $0x1  }
0x142: {  	v0 =	vadd.f32 v0, v1;
	v1 =	vmul.f32 v2, v2;
	_ =	sdelay $0x1  }
0x143: {  	v0 =	vadd.f32 v1, v0  }
0x144: {  	v1 =	vld [tilespmem:$0x6150]  }
0x145: {  	[tilespmem:$0x6440] =	vst v0;
	v0 =	vld [tilespmem:$0x6050]  }
0x146: {  	v2 =	vld.idx.msk [tilespmem:v3+s2+$0x0], $0xffff  }
0x147: {  	v4 =	vld.idx.msk [tilespmem:v3+s6+$0x0], $0xffff  }
0x148: {  	v3 =	vld.idx.msk [tilespmem:v3+s7+$0x0], $0xffff  }
0x149: {  	v5 =	vld [tilespmem:$0x6250];
	_ =	sdelay $0x2  }
0x14a: {  	v0 =	vsub.f32 v2, v0  }
0x14b: {  	v1 =	vsub.f32 v4, v1  }
0x14c: {  	v2 =	vsub.f32 v3, v5;
	v3 =	vld [tilespmem:$0x6360]  }
0x14d: {  	v0 =	vmul.f32 v0, v0;
	v1 =	vmul.f32 v1, v1;
	_ =	sdelay $0x1  }
0x14e: {  	v0 =	vadd.f32 v1, v0;
	v1 =	vmul.f32 v2, v2;
	_ =	sdelay $0x1  }
0x14f: {  	v0 =	vadd.f32 v1, v0  }
0x150: {  	v1 =	vld [tilespmem:$0x6160]  }
0x151: {  	[tilespmem:$0x6450] =	vst v0;
	v0 =	vld [tilespmem:$0x6060]  }
0x152: {  	v2 =	vld.idx.msk [tilespmem:v3+s2+$0x0], $0xffff  }
0x153: {  	v4 =	vld.idx.msk [tilespmem:v3+s6+$0x0], $0xffff  }
0x154: {  	v3 =	vld.idx.msk [tilespmem:v3+s7+$0x0], $0xffff  }
0x155: {  	v5 =	vld [tilespmem:$0x6260];
	_ =	sdelay $0x2  }
0x156: {  	v0 =	vsub.f32 v2, v0  }
0x157: {  	v1 =	vsub.f32 v4, v1  }
0x158: {  	v0 =	vmul.f32 v0, v0;
	v2 =	vsub.f32 v3, v5;
	v3 =	vld [tilespmem:$0x6370]  }
0x159: {  	v1 =	vmul.f32 v1, v1;
	_ =	sdelay $0x1  }
0x15a: {  	v0 =	vadd.f32 v1, v0;
	v1 =	vmul.f32 v2, v2;
	_ =	sdelay $0x1  }
0x15b: {  	v0 =	vadd.f32 v1, v0  }
0x15c: {  	v1 =	vld [tilespmem:$0x6170]  }
0x15d: {  	[tilespmem:$0x6460] =	vst v0;
	v0 =	vld [tilespmem:$0x6070]  }
0x15e: {  	v2 =	vld.idx.msk [tilespmem:v3+s2+$0x0], $0xffff  }
0x15f: {  	v4 =	vld.idx.msk [tilespmem:v3+s6+$0x0], $0xffff  }
0x160: {  	v3 =	vld.idx.msk [tilespmem:v3+s7+$0x0], $0xffff  }
0x161: {  	v5 =	vld [tilespmem:$0x6270];
	_ =	sdelay $0x2  }
0x162: {  	v0 =	vsub.f32 v2, v0  }
0x163: {  	v1 =	vsub.f32 v4, v1  }
0x164: {  	v2 =	vsub.f32 v3, v5;
	v3 =	vld [tilespmem:$0x6380]  }
0x165: {  	v0 =	vmul.f32 v0, v0;
	v1 =	vmul.f32 v1, v1;
	_ =	sdelay $0x1  }
0x166: {  	v0 =	vadd.f32 v1, v0;
	v1 =	vmul.f32 v2, v2;
	_ =	sdelay $0x1  }
0x167: {  	v0 =	vadd.f32 v1, v0  }
0x168: {  	v1 =	vld [tilespmem:$0x6180]  }
0x169: {  	[tilespmem:$0x6470] =	vst v0;
	v0 =	vld [tilespmem:$0x6080]  }
0x16a: {  	v2 =	vld.idx.msk [tilespmem:v3+s2+$0x0], $0xffff  }
0x16b: {  	v4 =	vld.idx.msk [tilespmem:v3+s6+$0x0], $0xffff  }
0x16c: {  	v3 =	vld.idx.msk [tilespmem:v3+s7+$0x0], $0xffff  }
0x16d: {  	v5 =	vld [tilespmem:$0x6280];
	_ =	sdelay $0x2  }
0x16e: {  	v0 =	vsub.f32 v2, v0  }
0x16f: {  	v1 =	vsub.f32 v4, v1  }
0x170: {  	v2 =	vsub.f32 v3, v5;
	v3 =	vld [tilespmem:$0x6390]  }
0x171: {  	v0 =	vmul.f32 v0, v0;
	v1 =	vmul.f32 v1, v1;
	_ =	sdelay $0x1  }
0x172: {  	v0 =	vadd.f32 v1, v0;
	v1 =	vmul.f32 v2, v2;
	_ =	sdelay $0x1  }
0x173: {  	v0 =	vadd.f32 v1, v0  }
0x174: {  	v1 =	vld [tilespmem:$0x6190]  }
0x175: {  	[tilespmem:$0x6480] =	vst v0;
	v0 =	vld [tilespmem:$0x6090]  }
0x176: {  	v2 =	vld.idx.msk [tilespmem:v3+s2+$0x0], $0xffff  }
0x177: {  	v4 =	vld.idx.msk [tilespmem:v3+s6+$0x0], $0xffff  }
0x178: {  	v3 =	vld.idx.msk [tilespmem:v3+s7+$0x0], $0xffff  }
0x179: {  	v5 =	vld [tilespmem:$0x6290];
	_ =	sdelay $0x2  }
0x17a: {  	v0 =	vsub.f32 v2, v0  }
0x17b: {  	v1 =	vsub.f32 v4, v1  }
0x17c: {  	v2 =	vsub.f32 v3, v5;
	v3 =	vld [tilespmem:$0x63A0]  }
0x17d: {  	v0 =	vmul.f32 v0, v0;
	v1 =	vmul.f32 v1, v1;
	_ =	sdelay $0x1  }
0x17e: {  	v0 =	vadd.f32 v1, v0;
	v1 =	vmul.f32 v2, v2;
	_ =	sdelay $0x1  }
0x17f: {  	v0 =	vadd.f32 v1, v0  }
0x180: {  	v1 =	vld [tilespmem:$0x61A0]  }
0x181: {  	[tilespmem:$0x6490] =	vst v0;
	v0 =	vld [tilespmem:$0x60A0]  }
0x182: {  	v2 =	vld.idx.msk [tilespmem:v3+s2+$0x0], $0xffff  }
0x183: {  	v4 =	vld.idx.msk [tilespmem:v3+s6+$0x0], $0xffff  }
0x184: {  	v3 =	vld.idx.msk [tilespmem:v3+s7+$0x0], $0xffff  }
0x185: {  	v5 =	vld [tilespmem:$0x62A0];
	_ =	sdelay $0x2  }
0x186: {  	v0 =	vsub.f32 v2, v0  }
0x187: {  	v1 =	vsub.f32 v4, v1  }
0x188: {  	v2 =	vsub.f32 v3, v5;
	v3 =	vld [tilespmem:$0x63B0]  }
0x189: {  	v0 =	vmul.f32 v0, v0;
	v1 =	vmul.f32 v1, v1;
	_ =	sdelay $0x1  }
0x18a: {  	v0 =	vadd.f32 v1, v0;
	v1 =	vmul.f32 v2, v2;
	_ =	sdelay $0x1  }
0x18b: {  	v0 =	vadd.f32 v1, v0  }
0x18c: {  	v1 =	vld [tilespmem:$0x61B0]  }
0x18d: {  	[tilespmem:$0x64A0] =	vst v0;
	v0 =	vld [tilespmem:$0x60B0]  }
0x18e: {  	v2 =	vld.idx.msk [tilespmem:v3+s2+$0x0], $0xffff  }
0x18f: {  	v4 =	vld.idx.msk [tilespmem:v3+s6+$0x0], $0xffff  }
0x190: {  	v3 =	vld.idx.msk [tilespmem:v3+s7+$0x0], $0xffff  }
0x191: {  	v5 =	vld [tilespmem:$0x62B0];
	_ =	sdelay $0x2  }
0x192: {  	v0 =	vsub.f32 v2, v0  }
0x193: {  	v1 =	vsub.f32 v4, v1  }
0x194: {  	v0 =	vmul.f32 v0, v0;
	v2 =	vsub.f32 v3, v5;
	v3 =	vld [tilespmem:$0x63C0]  }
0x195: {  	v1 =	vmul.f32 v1, v1;
	_ =	sdelay $0x1  }
0x196: {  	v0 =	vadd.f32 v1, v0;
	v1 =	vmul.f32 v2, v2;
	_ =	sdelay $0x1  }
0x197: {  	v0 =	vadd.f32 v1, v0  }
0x198: {  	v1 =	vld [tilespmem:$0x61C0]  }
0x199: {  	[tilespmem:$0x64B0] =	vst v0;
	v0 =	vld [tilespmem:$0x60C0]  }
0x19a: {  	v2 =	vld.idx.msk [tilespmem:v3+s2+$0x0], $0xffff  }
0x19b: {  	v4 =	vld.idx.msk [tilespmem:v3+s6+$0x0], $0xffff  }
0x19c: {  	v3 =	vld.idx.msk [tilespmem:v3+s7+$0x0], $0xffff  }
0x19d: {  	v5 =	vld [tilespmem:$0x62C0];
	_ =	sdelay $0x2  }
0x19e: {  	v0 =	vsub.f32 v2, v0  }
0x19f: {  	v1 =	vsub.f32 v4, v1  }
0x1a0: {  	v0 =	vmul.f32 v0, v0;
	v2 =	vsub.f32 v3, v5;
	v3 =	vld [tilespmem:$0x63D0]  }
0x1a1: {  	v1 =	vmul.f32 v1, v1;
	_ =	sdelay $0x1  }
0x1a2: {  	v0 =	vadd.f32 v1, v0;
	v1 =	vmul.f32 v2, v2;
	_ =	sdelay $0x1  }
0x1a3: {  	v0 =	vadd.f32 v1, v0  }
0x1a4: {  	v1 =	vld [tilespmem:$0x61D0]  }
0x1a5: {  	[tilespmem:$0x64C0] =	vst v0;
	v0 =	vld [tilespmem:$0x60D0]  }
0x1a6: {  	v2 =	vld.idx.msk [tilespmem:v3+s2+$0x0], $0xffff  }
0x1a7: {  	v4 =	vld.idx.msk [tilespmem:v3+s6+$0x0], $0xffff  }
0x1a8: {  	v3 =	vld.idx.msk [tilespmem:v3+s7+$0x0], $0xffff  }
0x1a9: {  	v5 =	vld [tilespmem:$0x62D0];
	_ =	sdelay $0x2  }
0x1aa: {  	v0 =	vsub.f32 v2, v0  }
0x1ab: {  	v1 =	vsub.f32 v4, v1  }
0x1ac: {  	v2 =	vsub.f32 v3, v5;
	v3 =	vld [tilespmem:$0x63E0]  }
0x1ad: {  	v0 =	vmul.f32 v0, v0;
	v1 =	vmul.f32 v1, v1;
	_ =	sdelay $0x1  }
0x1ae: {  	v0 =	vadd.f32 v1, v0;
	v1 =	vmul.f32 v2, v2;
	_ =	sdelay $0x1  }
0x1af: {  	v0 =	vadd.f32 v1, v0  }
0x1b0: {  	v1 =	vld [tilespmem:$0x61E0]  }
0x1b1: {  	[tilespmem:$0x64D0] =	vst v0;
	v0 =	vld [tilespmem:$0x60E0]  }
0x1b2: {  	v2 =	vld.idx.msk [tilespmem:v3+s2+$0x0], $0xffff  }
0x1b3: {  	v4 =	vld.idx.msk [tilespmem:v3+s6+$0x0], $0xffff  }
0x1b4: {  	v3 =	vld.idx.msk [tilespmem:v3+s7+$0x0], $0xffff  }
0x1b5: {  	v5 =	vld [tilespmem:$0x62E0];
	_ =	sdelay $0x2  }
0x1b6: {  	v2 =	vsub.f32 v2, v0  }
0x1b7: {  	v1 =	vsub.f32 v4, v1  }
0x1b8: {  	v3 =	vsub.f32 v3, v5;
	v0 =	vld [tilespmem:$0x63F0]  }
0x1b9: {  	v2 =	vmul.f32 v2, v2;
	v1 =	vmul.f32 v1, v1;
	_ =	sdelay $0x1  }
0x1ba: {  	v1 =	vadd.f32 v1, v2;
	v2 =	vmul.f32 v3, v3;
	_ =	sdelay $0x1  }
.Ltmp2:
0x1bb: {  	v2 =	vadd.f32 v2, v1;
	(pc) =	sbr.rel @p0 .LBB2_2-.Ltmp2, $4  }
0x1bc: {  	v1 =	vld [tilespmem:$0x61F0]  }
0x1bd: {  	[tilespmem:$0x64E0] =	vst v2;
	v2 =	vld [tilespmem:$0x60F0]  }
0x1be: {  	v3 =	vld.idx.msk [tilespmem:v0+s2+$0x0], $0xffff  }
0x1bf: {  	v4 =	vld.idx.msk [tilespmem:v0+s6+$0x0], $0xffff  }
.LBB2_3:
0x1c0: {  	_ =	sdelay $0x3  }
0x1c1: {  	v0 =	vld.idx.msk [tilespmem:v0+s7+$0x0], $0xffff  }
0x1c2: {  	v5 =	vld [tilespmem:$0x62F0];
	_ =	sdelay $0x2  }
0x1c3: {  	v2 =	vsub.f32 v3, v2;
	v1 =	vsub.f32 v4, v1;
	_ =	sdelay $0x1  }
0x1c4: {  	v0 =	vsub.f32 v0, v5;
	v2 =	vmul.f32 v2, v2;
	v1 =	vmul.f32 v1, v1;
	_ =	sdelay $0x1  }
0x1c5: {  	v0 =	vmul.f32 v0, v0;
	v1 =	vadd.f32 v1, v2;
	_ =	sdelay $0x1  }
0x1c6: {  	v0 =	vadd.f32 v0, v1;
	_ =	sdelay $0x1  }
0x1c7: {  	[tilespmem:$0x64F0] =	vst v0  }
0x1c8: {  	[hbm4b:s17+s2] =	stream.linear.scatter [tilespmem:s19], [sflag:$0x2], $0x100, $0x38;
	[tilespmem:$0x6500] =	vst v63  }
0x1c9: {  	_ =	swait.ge [sflag:s18], $0x100  }
0x1ca: {  	[sflag:s18] =	ssyncset.done $0x0  }
0x1cb: {  	[sflag:s18] =	ssyncadd.s32 $0xFFFFFF00  }
.LBB2_4:
0x1cc: {  	_ =	sfence.sel $0x180000  }
0x1cd: {  	[bflag:$0x0] =	sbarrier.arrive $0xFFFF  }
0x1ce: {  	p0 =	sne.s32 s1, $0x0;
	_ =	strace $0x9000004A  }
0x1cf: {  	s0 =	sadd.s32 @!p0 $0x100000, s0;
	[bflag:$0x2] =	sbarrier.arrive $0xFFFF  }
0x1d0: {  	[sflag:s0] =	ssyncadd.tile.s32 @!p0 $0x1;
	_ =	shalt  }
.Lfunc_end2:
_tile_overlayer_lowered:
.L_overlay_start_2:
0x1d1: {  	(tag) =	ssettag $0x2  }
0x1d2: {  	s0 =	rddreg [dreg:$0x0];
	s2 =	stileid.u32  }
0x1d3: {  	s1 =	rddreg [dreg:$0x1];
	p0 =	sne.s32 s2, $0x0  }
0x1d4: {  	s3 =	rddreg [dreg:$0x2];
	[bflag:$0x3] =	sbarrier.arrive $0xFFFF;
	s2 =	simm.s32 @!p0 $0x1C02  }
0x1d5: {  	[timem:s3], [sflag:s2] =	dma.local @!p0 [hbm:s0], s1  }
0x1d6: {  	s0 =	simm.s32 @!p0 $0x2  }
0x1d7: {  	_ =	swait.ge @!p0 [sflag:s0], s1  }
0x1d8: {  	s1 =	ssub.s32 @!p0 $0x0, s1;
	[sflag:s0] =	ssyncset.done @!p0 $0x0  }
0x1d9: {  	[sflag:s0] =	ssyncadd.s32 @!p0 s1  }
0x1da: {  	[bflag:$0x3] =	sbarrier.arrive $0xFFFF  }
0x1db: {  	_ =	shalt  }

</sc_bundles>
